<compile_context>
chip_gen: v7x
topology: tpu7x:2x2x1
jax: 0.10.2.dev20260603
libtpu: 0.0.44.dev20260713+nightly
codegen_flags: <defaults>
</compile_context>

<pallas_src>
import functools

import jax
import jax.numpy as jnp
from jax import lax
from jax.experimental import pallas as pl
from jax.experimental.pallas import tpu as pltpu
from jax.experimental.pallas import tpu_sc as plsc

N = 10000
NP = 10240
E = 320000
D = 128
B = 16
L = 64

NC = 2
NS = 16
CHUNK = 128
EP = 327680
ROWS = EP // CHUNK
RPT = ROWS // (NC * NS)
NPT = NP // NS

_f32 = jnp.float32
_i32 = jnp.int32


def _sc_mesh():
    return plsc.VectorSubcoreMesh(core_axis_name="c", subcore_axis_name="s")


def _sc_degrees(allp, ones, znodes):
    RPT2 = ROWS // NS

    @functools.partial(
        pl.kernel,
        out_type=jax.ShapeDtypeStruct((NC, NP, D), _f32),
        mesh=_sc_mesh(),
        scratch_types=[
            pltpu.VMEM((RPT2, CHUNK), _i32),
            pltpu.VMEM((CHUNK, D), _f32),
            pltpu.VMEM_SHARED((NP, D), _f32),
            pltpu.SemaphoreType.DMA,
        ],
    )
    def k(allp_h, ones_h, znodes_h, deg_h, iv, ones_v, deg_s, sem):
        G = 16
        c = lax.axis_index("c")
        s = lax.axis_index("s")
        r0 = s * NPT
        pltpu.sync_copy(znodes_h.at[pl.ds(r0, NPT)], deg_s.at[pl.ds(r0, NPT)])
        pltpu.sync_copy(ones_h, ones_v)
        base = c * ROWS + s * RPT2
        pltpu.sync_copy(allp_h.at[pl.ds(base, RPT2)], iv)
        plsc.subcore_barrier()

        def body(i, carry):
            descs = [pltpu.async_copy(ones_v, deg_s.at[iv.at[i * G + g]],
                                      sem, add=True) for g in range(G)]
            for d in descs:
                d.wait()
            return carry

        lax.fori_loop(0, RPT2 // G, body, 0)
        plsc.subcore_barrier()
        pltpu.sync_copy(deg_s.at[pl.ds(r0, NPT)], deg_h.at[c, pl.ds(r0, NPT)])

    return k(allp, ones, znodes)


def _sc_message(p, allp, znodes):

    @functools.partial(
        pl.kernel,
        out_type=jax.ShapeDtypeStruct((NC, NP, D), _f32),
        mesh=_sc_mesh(),
        scratch_types=[
            pltpu.VMEM((RPT // 2, CHUNK), _i32),
            pltpu.VMEM((RPT // 2, CHUNK), _i32),
            pltpu.VMEM((CHUNK, D), _f32),
            pltpu.VMEM((CHUNK, D), _f32),
            pltpu.VMEM_SHARED((NP, D), _f32),
            pltpu.SemaphoreType.DMA,
            pltpu.SemaphoreType.DMA,
            pltpu.SemaphoreType.DMA,
            pltpu.SemaphoreType.DMA,
        ],
    )
    def k(p_h, allp_h, znodes_h, agg_h,
          isv, idv, msg0, msg1, acc_s, g0, g1, s0, s1):
        HB = RPT // 2
        c = lax.axis_index("c")
        s = lax.axis_index("s")
        r0 = s * NPT
        pltpu.sync_copy(znodes_h.at[pl.ds(r0, NPT)], acc_s.at[pl.ds(r0, NPT)])
        base = c * (ROWS // NC) + s * RPT
        pltpu.sync_copy(allp_h.at[pl.ds(base, HB)], isv)
        pltpu.sync_copy(allp_h.at[pl.ds(ROWS + base, HB)], idv)
        plsc.subcore_barrier()

        def body(i, carry):
            j = i * 2
            jm = lax.rem(j, HB)

            @pl.when(i > 0)
            def _():
                pltpu.make_async_copy(msg0, acc_s.at[idv.at[jm]], s0).wait()
                pltpu.make_async_copy(msg1, acc_s.at[idv.at[jm]], s1).wait()

            @pl.when(j == HB)
            def _():
                pltpu.sync_copy(allp_h.at[pl.ds(base + HB, HB)], isv)
                pltpu.sync_copy(allp_h.at[pl.ds(ROWS + base + HB, HB)], idv)

            d0 = pltpu.async_copy(p_h.at[isv.at[jm]], msg0, g0)
            d1 = pltpu.async_copy(p_h.at[isv.at[jm + 1]], msg1, g1)
            d0.wait()
            pltpu.async_copy(msg0, acc_s.at[idv.at[jm]], s0, add=True)
            d1.wait()
            pltpu.async_copy(msg1, acc_s.at[idv.at[jm + 1]], s1, add=True)
            return carry

        lax.fori_loop(0, RPT // 2, body, 0)
        pltpu.make_async_copy(msg0, acc_s.at[idv.at[HB - 2]], s0).wait()
        pltpu.make_async_copy(msg1, acc_s.at[idv.at[HB - 1]], s1).wait()
        plsc.subcore_barrier()
        pltpu.sync_copy(acc_s.at[pl.ds(r0, NPT)], agg_h.at[c, pl.ds(r0, NPT)])

    return k(p, allp, znodes)


def _tc_p1(featp, W1, degs):
    R = 2560

    def body(feat_ref, w_ref, deg_ref, out_ref):
        d = deg_ref[0][:, 0:1]
        csrc = lax.rsqrt(jnp.maximum(d, 1.0))
        out_ref[...] = jnp.dot(feat_ref[...], w_ref[...],
                               preferred_element_type=_f32) * csrc

    return pl.pallas_call(
        body,
        grid=(NP // R,),
        in_specs=[pl.BlockSpec((R, D), lambda i: (i, 0)),
                  pl.BlockSpec((D, D), lambda i: (0, 0)),
                  pl.BlockSpec((1, R, D), lambda i: (0, i, 0))],
        out_specs=pl.BlockSpec((R, D), lambda i: (i, 0)),
        out_shape=jax.ShapeDtypeStruct((NP, D), _f32),
    )(featp, W1, degs)


def _tc_mid(agg, degs, W2, b1):
    R = 2560

    def body(agg_ref, deg_ref, w_ref, b_ref, out_ref):
        a = agg_ref[0] + agg_ref[1]
        do = deg_ref[0][:, 0:1]
        di = deg_ref[1][:, 0:1]
        cdst = lax.rsqrt(jnp.maximum(di, 1.0))
        csrc = lax.rsqrt(jnp.maximum(do, 1.0))
        h = jnp.maximum(a * cdst + b_ref[...], 0.0)
        out_ref[...] = jnp.dot(h, w_ref[...],
                               preferred_element_type=_f32) * csrc

    return pl.pallas_call(
        body,
        grid=(NP // R,),
        in_specs=[pl.BlockSpec((NC, R, D), lambda i: (0, i, 0)),
                  pl.BlockSpec((NC, R, D), lambda i: (0, i, 0)),
                  pl.BlockSpec((D, D), lambda i: (0, 0)),
                  pl.BlockSpec((1, D), lambda i: (0, 0))],
        out_specs=pl.BlockSpec((R, D), lambda i: (i, 0)),
        out_shape=jax.ShapeDtypeStruct((NP, D), _f32),
    )(agg, degs, W2, b1)


def _tc_readout(agg, degs, b2, gid3, W_out, b_out):
    R = 2048
    steps = NP // R

    def body(agg_ref, degi_ref, b_ref, gid_ref, wo_ref, bo_ref, out_ref,
             sums, cnts):
        i = pl.program_id(0)

        @pl.when(i == 0)
        def _():
            sums[...] = jnp.zeros((B, D), _f32)
            cnts[...] = jnp.zeros((B, D), _f32)

        a = agg_ref[0] + agg_ref[1]
        di = degi_ref[0][:, 0:1]
        cdst = lax.rsqrt(jnp.maximum(di, 1.0))
        h = a * cdst + b_ref[...]
        ids = gid_ref[0, 0]
        onehot = (ids[:, None] ==
                  lax.broadcasted_iota(_i32, (R, B), 1)).astype(_f32)
        sums[...] += lax.dot_general(onehot, h, (((0,), (0,)), ((), ())),
                                     preferred_element_type=_f32)
        cnts[...] += jnp.broadcast_to(jnp.sum(onehot, axis=0)[:, None], (B, D))

        @pl.when(i == steps - 1)
        def _():
            hg = sums[...] / jnp.maximum(cnts[...], 1.0)
            out_ref[...] = jnp.dot(hg, wo_ref[...],
                                   preferred_element_type=_f32) + bo_ref[...]

    return pl.pallas_call(
        body,
        grid=(steps,),
        in_specs=[pl.BlockSpec((NC, R, D), lambda i: (0, i, 0)),
                  pl.BlockSpec((1, R, D), lambda i: (1, i, 0)),
                  pl.BlockSpec((1, D), lambda i: (0, 0)),
                  pl.BlockSpec((1, 1, R), lambda i: (i, 0, 0)),
                  pl.BlockSpec((D, L), lambda i: (0, 0)),
                  pl.BlockSpec((1, L), lambda i: (0, 0))],
        out_specs=pl.BlockSpec((B, L), lambda i: (0, 0)),
        out_shape=jax.ShapeDtypeStruct((B, L), _f32),
        scratch_shapes=[pltpu.VMEM((B, D), _f32), pltpu.VMEM((B, D), _f32)],
        compiler_params=pltpu.CompilerParams(
            dimension_semantics=("arbitrary",)),
    )(agg, degs, b2, gid3, W_out, b_out)


def kernel(feat, edge_index, graph_ids, W1, b1, W2, b2, W_out, b_out):
    src = edge_index[0].astype(_i32)
    dst = edge_index[1].astype(_i32)
    pad = N + jnp.arange(EP - E, dtype=_i32) % (NP - N)
    allp = jnp.concatenate([src, pad, dst, pad]).reshape(2 * ROWS, CHUNK)
    featp = jnp.pad(feat, ((0, NP - N), (0, 0)))
    znodes = jnp.zeros((NP, D), _f32)
    ones = jnp.ones((CHUNK, D), _f32)
    gidp = jnp.pad(graph_ids.astype(_i32), (0, NP - N), constant_values=B)
    gid3 = gidp.reshape(NP // 2048, 1, 2048)

    degs = _sc_degrees(allp, ones, znodes)
    p1 = _tc_p1(featp, W1, degs)
    agg1 = _sc_message(p1, allp, znodes)
    p2 = _tc_mid(agg1, degs, W2, b1.reshape(1, D))
    agg2 = _sc_message(p2, allp, znodes)
    return _tc_readout(agg2, degs, b2.reshape(1, D), gid3,
                       W_out, b_out.reshape(1, L))

# --- scband reference (transcript-rebuilt; emitter-appended) ---
"""Pipeline reference for scband-gcngraph-classification-10514079941257 (READ-ONLY COPY).

The authoritative reference and input builder live on the scoring server;
editing this copy changes nothing except your own understanding.
"""

import jax, jax.numpy as jnp
import numpy as np

N = 10000
E = 320000
DE = 128
U = 128
DA = 128
L = 64
B = 16


def setup_inputs(seed: int = 0) -> dict:
    key = jax.random.key(seed)
    ks = jax.random.split(key, 10)
    feat = jax.random.normal(ks[0], (N, DE), dtype=jnp.float32)
    edge_index = jax.random.randint(ks[1], (2, E), 0, N, dtype=jnp.int64)
    graph_ids = jnp.sort(jax.random.randint(ks[2], (N,), 0, B, dtype=jnp.int64))
    # GraphConv weights (glorot-like) and output head weights (normal std=0.03 per init())
    W1 = jax.random.normal(ks[3], (DE, U), dtype=jnp.float32) * (1.0 / np.sqrt(DE))
    b1 = jnp.zeros((U,), dtype=jnp.float32)
    W2 = jax.random.normal(ks[4], (U, DA), dtype=jnp.float32) * (1.0 / np.sqrt(U))
    b2 = jnp.zeros((DA,), dtype=jnp.float32)
    W_out = jax.random.normal(ks[5], (DA, L), dtype=jnp.float32) * 0.03
    b_out = jnp.zeros((L,), dtype=jnp.float32)
    return {"feat": feat, "edge_index": edge_index, "graph_ids": graph_ids,
            "W1": W1, "b1": b1, "W2": W2, "b2": b2, "W_out": W_out, "b_out": b_out}


def _graph_conv(h, src, dst, c_src, c_dst, W, b, n_nodes):
    # DGL GraphConv with norm='both': out = D_in^{-1/2} A^T D_out^{-1/2} (h W) + b
    h = h @ W
    msg = h[src] * c_src[src][:, None]
    agg = jax.ops.segment_sum(msg, dst, num_segments=n_nodes)
    return agg * c_dst[:, None] + b


def reference(feat, edge_index, graph_ids, W1, b1, W2, b2, W_out, b_out):
    src = edge_index[0]
    dst = edge_index[1]
    n_nodes = feat.shape[0]
    ones_e = jnp.ones((src.shape[0],), dtype=jnp.float32)
    deg_out = jax.ops.segment_sum(ones_e, src, num_segments=n_nodes)
    deg_in = jax.ops.segment_sum(ones_e, dst, num_segments=n_nodes)
    c_src = jnp.clip(deg_out, 1.0, None) ** -0.5
    c_dst = jnp.clip(deg_in, 1.0, None) ** -0.5
    h = _graph_conv(feat, src, dst, c_src, c_dst, W1, b1, n_nodes)
    h = jax.nn.relu(h)
    # dropout is identity in eval mode
    h = _graph_conv(h, src, dst, c_src, c_dst, W2, b2, n_nodes)
    # mean readout per graph (dgl.mean_nodes)
    ones_n = jnp.ones((n_nodes,), dtype=jnp.float32)
    counts = jax.ops.segment_sum(ones_n, graph_ids, num_segments=B)
    sums = jax.ops.segment_sum(h, graph_ids, num_segments=B)
    hg = sums / jnp.clip(counts, 1.0, None)[:, None]
    labels_output = hg @ W_out + b_out
    return labels_output

if __name__ == "__main__":
    import jax
    _d = setup_inputs()
    print(jax.jit(kernel)(*tuple(_d.values())))

</pallas_src>

<mosaic_0001>
#map = affine_map<(d0, d1) -> (0, 0)>
#map1 = affine_map<(d0, d1) -> (0, 0, 0)>
module attributes {stable_mosaic.version = 14 : i64} {
  func.func @k(%arg0: i32, %arg1: i32, %arg2: memref<5120x128xi32, #tpu.memory_space<hbm>>, %arg3: memref<128x128xf32, #tpu.memory_space<hbm>>, %arg4: memref<10240x128xf32, #tpu.memory_space<hbm>>, %arg5: memref<2x10240x128xf32, #tpu.memory_space<hbm>>, %arg6: memref<160x128xi32, #tpu.memory_space<vmem>>, %arg7: memref<128x128xf32, #tpu.memory_space<vmem>>, %arg8: memref<10240x128xf32, #tpu.memory_space<vmem_shared>>, %arg9: memref<!tpu.dma_semaphore, #tpu.memory_space<semaphore_mem>>) attributes {dimension_semantics = [#tpu.dimension_semantics<core_parallel>, #tpu.dimension_semantics<subcore_parallel>], iteration_bounds = array<i64: 2, 16>, scalar_prefetch = 0 : i64, scratch_operands = 4 : i64, tpu.core_type = #tpu.core_type<sc_vector_subcore>, window_params = [{transform_indices = #map}, {transform_indices = #map}, {transform_indices = #map}, {transform_indices = #map1}]} {
    %mul3A = arith.constant 640 : i32
    %mul3A_0 = arith.muli %arg1, %mul3A : i32
    "tpu.region"() ({
      %run_scoped3A = tpu.sem_alloc : memref<!tpu.dma_semaphore, #tpu.memory_space<semaphore_mem>>
      %dma_start3A = arith.constant 0 : i32
      %dma_start3A_11 = tpu.memref_slice %arg8[%mul3A_0, %dma_start3A] : memref<10240x128xf32, #tpu.memory_space<vmem_shared>> -> memref<640x128xf32, #tpu.memory_space<vmem_shared>>
      %dma_start3A_12 = arith.constant 0 : i32
      %dma_start3A_13 = tpu.memref_slice %arg4[%mul3A_0, %dma_start3A_12] : memref<10240x128xf32, #tpu.memory_space<hbm>> -> memref<640x128xf32, #tpu.memory_space<hbm>>
      tpu.enqueue_dma source(%dma_start3A_13 : memref<640x128xf32, #tpu.memory_space<hbm>>) target(%dma_start3A_11 : memref<640x128xf32, #tpu.memory_space<vmem_shared>>) target_semaphore(%run_scoped3A : memref<!tpu.dma_semaphore, #tpu.memory_space<semaphore_mem>>)
      %dma_wait3A = arith.constant 0 : i32
      %dma_wait3A_14 = tpu.memref_slice %arg8[%mul3A_0, %dma_wait3A] : memref<10240x128xf32, #tpu.memory_space<vmem_shared>> -> memref<640x128xf32, #tpu.memory_space<vmem_shared>>
      %dma_wait3A_15 = arith.constant 0 : i32
      %dma_wait3A_16 = tpu.memref_slice %arg4[%mul3A_0, %dma_wait3A_15] : memref<10240x128xf32, #tpu.memory_space<hbm>> -> memref<640x128xf32, #tpu.memory_space<hbm>>
      tpu.wait_dma2 semaphore(%run_scoped3A : memref<!tpu.dma_semaphore, #tpu.memory_space<semaphore_mem>>) src(%dma_wait3A_16 : memref<640x128xf32, #tpu.memory_space<hbm>>) dst(%dma_wait3A_14 : memref<640x128xf32, #tpu.memory_space<vmem_shared>>)
      tpu.yield
    }) : () -> ()
    "tpu.region"() ({
      %run_scoped3A = tpu.sem_alloc : memref<!tpu.dma_semaphore, #tpu.memory_space<semaphore_mem>>
      tpu.enqueue_dma source(%arg3 : memref<128x128xf32, #tpu.memory_space<hbm>>) target(%arg7 : memref<128x128xf32, #tpu.memory_space<vmem>>) target_semaphore(%run_scoped3A : memref<!tpu.dma_semaphore, #tpu.memory_space<semaphore_mem>>)
      tpu.wait_dma2 semaphore(%run_scoped3A : memref<!tpu.dma_semaphore, #tpu.memory_space<semaphore_mem>>) src(%arg3 : memref<128x128xf32, #tpu.memory_space<hbm>>) dst(%arg7 : memref<128x128xf32, #tpu.memory_space<vmem>>)
      tpu.yield
    }) : () -> ()
    %mul3A_1 = arith.constant 2560 : i32
    %mul3A_2 = arith.muli %arg0, %mul3A_1 : i32
    %mul3A_3 = arith.constant 160 : i32
    %mul3A_4 = arith.muli %arg1, %mul3A_3 : i32
    %add3A = arith.addi %mul3A_2, %mul3A_4 : i32
    "tpu.region"() ({
      %run_scoped3A = tpu.sem_alloc : memref<!tpu.dma_semaphore, #tpu.memory_space<semaphore_mem>>
      %dma_start3A = arith.constant 0 : i32
      %dma_start3A_11 = tpu.memref_slice %arg2[%add3A, %dma_start3A] : memref<5120x128xi32, #tpu.memory_space<hbm>> -> memref<160x128xi32, #tpu.memory_space<hbm>>
      %dma_start3A_12 = arith.constant 0 : i32
      %dma_start3A_13 = tpu.memref_slice %arg2[%add3A, %dma_start3A_12] : memref<5120x128xi32, #tpu.memory_space<hbm>> -> memref<160x128xi32, #tpu.memory_space<hbm>>
      tpu.enqueue_dma source(%dma_start3A_13 : memref<160x128xi32, #tpu.memory_space<hbm>>) target(%arg6 : memref<160x128xi32, #tpu.memory_space<vmem>>) target_semaphore(%run_scoped3A : memref<!tpu.dma_semaphore, #tpu.memory_space<semaphore_mem>>)
      %dma_wait3A = arith.constant 0 : i32
      %dma_wait3A_14 = tpu.memref_slice %arg2[%add3A, %dma_wait3A] : memref<5120x128xi32, #tpu.memory_space<hbm>> -> memref<160x128xi32, #tpu.memory_space<hbm>>
      %dma_wait3A_15 = arith.constant 0 : i32
      %dma_wait3A_16 = tpu.memref_slice %arg2[%add3A, %dma_wait3A_15] : memref<5120x128xi32, #tpu.memory_space<hbm>> -> memref<160x128xi32, #tpu.memory_space<hbm>>
      tpu.wait_dma2 semaphore(%run_scoped3A : memref<!tpu.dma_semaphore, #tpu.memory_space<semaphore_mem>>) src(%dma_wait3A_16 : memref<160x128xi32, #tpu.memory_space<hbm>>) dst(%arg6 : memref<160x128xi32, #tpu.memory_space<vmem>>)
      tpu.yield
    }) : () -> ()
    %barrier3A = arith.constant 0 : index
    tpu.barrier barrier_id(%barrier3A)
    %scan3A = arith.constant 0 : i32
    %scan3A_5 = arith.constant 0 : i32
    %scan3A_6 = arith.constant 10 : i32
    %scan3A_7 = arith.addi %scan3A_5, %scan3A_6 : i32
    %scan3A_8 = arith.constant 1 : i32
    scf.for %scan3A_11 = %scan3A_5 to %scan3A_7 step %scan3A_8  : i32 {
      %mul3A_12 = arith.constant 16 : i32
      %mul3A_13 = arith.muli %scan3A_11, %mul3A_12 : i32
      %add3A_14 = arith.constant 0 : i32
      %add3A_15 = arith.addi %mul3A_13, %add3A_14 : i32
      %dma_start3A = arith.constant 0 : i32
      %dma_start3A_16 = tpu.memref_slice %arg6[%add3A_15, %dma_start3A] : memref<160x128xi32, #tpu.memory_space<vmem>> -> memref<1x128xi32, #tpu.memory_space<vmem>>
      %dma_start3A_17 = tpu.memref_squeeze %dma_start3A_16 : memref<1x128xi32, #tpu.memory_space<vmem>> -> memref<128xi32, #tpu.memory_space<vmem>>
      %dma_start3A_18 = arith.constant 0 : i32
      %dma_start3A_19 = arith.constant 0 : i32
      %dma_start3A_20 = tpu.memref_slice %arg8[%dma_start3A_18, %dma_start3A_19] : memref<10240x128xf32, #tpu.memory_space<vmem_shared>> -> memref<10240x128xf32, #tpu.memory_space<vmem_shared>>
      tpu.enqueue_indirect_dma source(%arg7 : memref<128x128xf32, #tpu.memory_space<vmem>>) target(%dma_start3A_20 : memref<10240x128xf32, #tpu.memory_space<vmem_shared>>) offsets(%dma_start3A_17 : memref<128xi32, #tpu.memory_space<vmem>>) semaphore(%arg9 : memref<!tpu.dma_semaphore, #tpu.memory_space<semaphore_mem>>) {add = true}
      %mul3A_21 = arith.constant 16 : i32
      %mul3A_22 = arith.muli %scan3A_11, %mul3A_21 : i32
      %add3A_23 = arith.constant 1 : i32
      %add3A_24 = arith.addi %mul3A_22, %add3A_23 : i32
      %dma_start3A_25 = arith.constant 0 : i32
      %dma_start3A_26 = tpu.memref_slice %arg6[%add3A_24, %dma_start3A_25] : memref<160x128xi32, #tpu.memory_space<vmem>> -> memref<1x128xi32, #tpu.memory_space<vmem>>
      %dma_start3A_27 = tpu.memref_squeeze %dma_start3A_26 : memref<1x128xi32, #tpu.memory_space<vmem>> -> memref<128xi32, #tpu.memory_space<vmem>>
      %dma_start3A_28 = arith.constant 0 : i32
      %dma_start3A_29 = arith.constant 0 : i32
      %dma_start3A_30 = tpu.memref_slice %arg8[%dma_start3A_28, %dma_start3A_29] : memref<10240x128xf32, #tpu.memory_space<vmem_shared>> -> memref<10240x128xf32, #tpu.memory_space<vmem_shared>>
      tpu.enqueue_indirect_dma source(%arg7 : memref<128x128xf32, #tpu.memory_space<vmem>>) target(%dma_start3A_30 : memref<10240x128xf32, #tpu.memory_space<vmem_shared>>) offsets(%dma_start3A_27 : memref<128xi32, #tpu.memory_space<vmem>>) semaphore(%arg9 : memref<!tpu.dma_semaphore, #tpu.memory_space<semaphore_mem>>) {add = true}
      %mul3A_31 = arith.constant 16 : i32
      %mul3A_32 = arith.muli %scan3A_11, %mul3A_31 : i32
      %add3A_33 = arith.constant 2 : i32
      %add3A_34 = arith.addi %mul3A_32, %add3A_33 : i32
      %dma_start3A_35 = arith.constant 0 : i32
      %dma_start3A_36 = tpu.memref_slice %arg6[%add3A_34, %dma_start3A_35] : memref<160x128xi32, #tpu.memory_space<vmem>> -> memref<1x128xi32, #tpu.memory_space<vmem>>
      %dma_start3A_37 = tpu.memref_squeeze %dma_start3A_36 : memref<1x128xi32, #tpu.memory_space<vmem>> -> memref<128xi32, #tpu.memory_space<vmem>>
      %dma_start3A_38 = arith.constant 0 : i32
      %dma_start3A_39 = arith.constant 0 : i32
      %dma_start3A_40 = tpu.memref_slice %arg8[%dma_start3A_38, %dma_start3A_39] : memref<10240x128xf32, #tpu.memory_space<vmem_shared>> -> memref<10240x128xf32, #tpu.memory_space<vmem_shared>>
      tpu.enqueue_indirect_dma source(%arg7 : memref<128x128xf32, #tpu.memory_space<vmem>>) target(%dma_start3A_40 : memref<10240x128xf32, #tpu.memory_space<vmem_shared>>) offsets(%dma_start3A_37 : memref<128xi32, #tpu.memory_space<vmem>>) semaphore(%arg9 : memref<!tpu.dma_semaphore, #tpu.memory_space<semaphore_mem>>) {add = true}
      %mul3A_41 = arith.constant 16 : i32
      %mul3A_42 = arith.muli %scan3A_11, %mul3A_41 : i32
      %add3A_43 = arith.constant 3 : i32
      %add3A_44 = arith.addi %mul3A_42, %add3A_43 : i32
      %dma_start3A_45 = arith.constant 0 : i32
      %dma_start3A_46 = tpu.memref_slice %arg6[%add3A_44, %dma_start3A_45] : memref<160x128xi32, #tpu.memory_space<vmem>> -> memref<1x128xi32, #tpu.memory_space<vmem>>
      %dma_start3A_47 = tpu.memref_squeeze %dma_start3A_46 : memref<1x128xi32, #tpu.memory_space<vmem>> -> memref<128xi32, #tpu.memory_space<vmem>>
      %dma_start3A_48 = arith.constant 0 : i32
      %dma_start3A_49 = arith.constant 0 : i32
      %dma_start3A_50 = tpu.memref_slice %arg8[%dma_start3A_48, %dma_start3A_49] : memref<10240x128xf32, #tpu.memory_space<vmem_shared>> -> memref<10240x128xf32, #tpu.memory_space<vmem_shared>>
      tpu.enqueue_indirect_dma source(%arg7 : memref<128x128xf32, #tpu.memory_space<vmem>>) target(%dma_start3A_50 : memref<10240x128xf32, #tpu.memory_space<vmem_shared>>) offsets(%dma_start3A_47 : memref<128xi32, #tpu.memory_space<vmem>>) semaphore(%arg9 : memref<!tpu.dma_semaphore, #tpu.memory_space<semaphore_mem>>) {add = true}
      %mul3A_51 = arith.constant 16 : i32
      %mul3A_52 = arith.muli %scan3A_11, %mul3A_51 : i32
      %add3A_53 = arith.constant 4 : i32
      %add3A_54 = arith.addi %mul3A_52, %add3A_53 : i32
      %dma_start3A_55 = arith.constant 0 : i32
      %dma_start3A_56 = tpu.memref_slice %arg6[%add3A_54, %dma_start3A_55] : memref<160x128xi32, #tpu.memory_space<vmem>> -> memref<1x128xi32, #tpu.memory_space<vmem>>
      %dma_start3A_57 = tpu.memref_squeeze %dma_start3A_56 : memref<1x128xi32, #tpu.memory_space<vmem>> -> memref<128xi32, #tpu.memory_space<vmem>>
      %dma_start3A_58 = arith.constant 0 : i32
      %dma_start3A_59 = arith.constant 0 : i32
      %dma_start3A_60 = tpu.memref_slice %arg8[%dma_start3A_58, %dma_start3A_59] : memref<10240x128xf32, #tpu.memory_space<vmem_shared>> -> memref<10240x128xf32, #tpu.memory_space<vmem_shared>>
      tpu.enqueue_indirect_dma source(%arg7 : memref<128x128xf32, #tpu.memory_space<vmem>>) target(%dma_start3A_60 : memref<10240x128xf32, #tpu.memory_space<vmem_shared>>) offsets(%dma_start3A_57 : memref<128xi32, #tpu.memory_space<vmem>>) semaphore(%arg9 : memref<!tpu.dma_semaphore, #tpu.memory_space<semaphore_mem>>) {add = true}
      %mul3A_61 = arith.constant 16 : i32
      %mul3A_62 = arith.muli %scan3A_11, %mul3A_61 : i32
      %add3A_63 = arith.constant 5 : i32
      %add3A_64 = arith.addi %mul3A_62, %add3A_63 : i32
      %dma_start3A_65 = arith.constant 0 : i32
      %dma_start3A_66 = tpu.memref_slice %arg6[%add3A_64, %dma_start3A_65] : memref<160x128xi32, #tpu.memory_space<vmem>> -> memref<1x128xi32, #tpu.memory_space<vmem>>
      %dma_start3A_67 = tpu.memref_squeeze %dma_start3A_66 : memref<1x128xi32, #tpu.memory_space<vmem>> -> memref<128xi32, #tpu.memory_space<vmem>>
      %dma_start3A_68 = arith.constant 0 : i32
      %dma_start3A_69 = arith.constant 0 : i32
      %dma_start3A_70 = tpu.memref_slice %arg8[%dma_start3A_68, %dma_start3A_69] : memref<10240x128xf32, #tpu.memory_space<vmem_shared>> -> memref<10240x128xf32, #tpu.memory_space<vmem_shared>>
      tpu.enqueue_indirect_dma source(%arg7 : memref<128x128xf32, #tpu.memory_space<vmem>>) target(%dma_start3A_70 : memref<10240x128xf32, #tpu.memory_space<vmem_shared>>) offsets(%dma_start3A_67 : memref<128xi32, #tpu.memory_space<vmem>>) semaphore(%arg9 : memref<!tpu.dma_semaphore, #tpu.memory_space<semaphore_mem>>) {add = true}
      %mul3A_71 = arith.constant 16 : i32
      %mul3A_72 = arith.muli %scan3A_11, %mul3A_71 : i32
      %add3A_73 = arith.constant 6 : i32
      %add3A_74 = arith.addi %mul3A_72, %add3A_73 : i32
      %dma_start3A_75 = arith.constant 0 : i32
      %dma_start3A_76 = tpu.memref_slice %arg6[%add3A_74, %dma_start3A_75] : memref<160x128xi32, #tpu.memory_space<vmem>> -> memref<1x128xi32, #tpu.memory_space<vmem>>
      %dma_start3A_77 = tpu.memref_squeeze %dma_start3A_76 : memref<1x128xi32, #tpu.memory_space<vmem>> -> memref<128xi32, #tpu.memory_space<vmem>>
      %dma_start3A_78 = arith.constant 0 : i32
      %dma_start3A_79 = arith.constant 0 : i32
      %dma_start3A_80 = tpu.memref_slice %arg8[%dma_start3A_78, %dma_start3A_79] : memref<10240x128xf32, #tpu.memory_space<vmem_shared>> -> memref<10240x128xf32, #tpu.memory_space<vmem_shared>>
      tpu.enqueue_indirect_dma source(%arg7 : memref<128x128xf32, #tpu.memory_space<vmem>>) target(%dma_start3A_80 : memref<10240x128xf32, #tpu.memory_space<vmem_shared>>) offsets(%dma_start3A_77 : memref<128xi32, #tpu.memory_space<vmem>>) semaphore(%arg9 : memref<!tpu.dma_semaphore, #tpu.memory_space<semaphore_mem>>) {add = true}
      %mul3A_81 = arith.constant 16 : i32
      %mul3A_82 = arith.muli %scan3A_11, %mul3A_81 : i32
      %add3A_83 = arith.constant 7 : i32
      %add3A_84 = arith.addi %mul3A_82, %add3A_83 : i32
      %dma_start3A_85 = arith.constant 0 : i32
      %dma_start3A_86 = tpu.memref_slice %arg6[%add3A_84, %dma_start3A_85] : memref<160x128xi32, #tpu.memory_space<vmem>> -> memref<1x128xi32, #tpu.memory_space<vmem>>
      %dma_start3A_87 = tpu.memref_squeeze %dma_start3A_86 : memref<1x128xi32, #tpu.memory_space<vmem>> -> memref<128xi32, #tpu.memory_space<vmem>>
      %dma_start3A_88 = arith.constant 0 : i32
      %dma_start3A_89 = arith.constant 0 : i32
      %dma_start3A_90 = tpu.memref_slice %arg8[%dma_start3A_88, %dma_start3A_89] : memref<10240x128xf32, #tpu.memory_space<vmem_shared>> -> memref<10240x128xf32, #tpu.memory_space<vmem_shared>>
      tpu.enqueue_indirect_dma source(%arg7 : memref<128x128xf32, #tpu.memory_space<vmem>>) target(%dma_start3A_90 : memref<10240x128xf32, #tpu.memory_space<vmem_shared>>) offsets(%dma_start3A_87 : memref<128xi32, #tpu.memory_space<vmem>>) semaphore(%arg9 : memref<!tpu.dma_semaphore, #tpu.memory_space<semaphore_mem>>) {add = true}
      %mul3A_91 = arith.constant 16 : i32
      %mul3A_92 = arith.muli %scan3A_11, %mul3A_91 : i32
      %add3A_93 = arith.constant 8 : i32
      %add3A_94 = arith.addi %mul3A_92, %add3A_93 : i32
      %dma_start3A_95 = arith.constant 0 : i32
      %dma_start3A_96 = tpu.memref_slice %arg6[%add3A_94, %dma_start3A_95] : memref<160x128xi32, #tpu.memory_space<vmem>> -> memref<1x128xi32, #tpu.memory_space<vmem>>
      %dma_start3A_97 = tpu.memref_squeeze %dma_start3A_96 : memref<1x128xi32, #tpu.memory_space<vmem>> -> memref<128xi32, #tpu.memory_space<vmem>>
      %dma_start3A_98 = arith.constant 0 : i32
      %dma_start3A_99 = arith.constant 0 : i32
      %dma_start3A_100 = tpu.memref_slice %arg8[%dma_start3A_98, %dma_start3A_99] : memref<10240x128xf32, #tpu.memory_space<vmem_shared>> -> memref<10240x128xf32, #tpu.memory_space<vmem_shared>>
      tpu.enqueue_indirect_dma source(%arg7 : memref<128x128xf32, #tpu.memory_space<vmem>>) target(%dma_start3A_100 : memref<10240x128xf32, #tpu.memory_space<vmem_shared>>) offsets(%dma_start3A_97 : memref<128xi32, #tpu.memory_space<vmem>>) semaphore(%arg9 : memref<!tpu.dma_semaphore, #tpu.memory_space<semaphore_mem>>) {add = true}
      %mul3A_101 = arith.constant 16 : i32
      %mul3A_102 = arith.muli %scan3A_11, %mul3A_101 : i32
      %add3A_103 = arith.constant 9 : i32
      %add3A_104 = arith.addi %mul3A_102, %add3A_103 : i32
      %dma_start3A_105 = arith.constant 0 : i32
      %dma_start3A_106 = tpu.memref_slice %arg6[%add3A_104, %dma_start3A_105] : memref<160x128xi32, #tpu.memory_space<vmem>> -> memref<1x128xi32, #tpu.memory_space<vmem>>
      %dma_start3A_107 = tpu.memref_squeeze %dma_start3A_106 : memref<1x128xi32, #tpu.memory_space<vmem>> -> memref<128xi32, #tpu.memory_space<vmem>>
      %dma_start3A_108 = arith.constant 0 : i32
      %dma_start3A_109 = arith.constant 0 : i32
      %dma_start3A_110 = tpu.memref_slice %arg8[%dma_start3A_108, %dma_start3A_109] : memref<10240x128xf32, #tpu.memory_space<vmem_shared>> -> memref<10240x128xf32, #tpu.memory_space<vmem_shared>>
      tpu.enqueue_indirect_dma source(%arg7 : memref<128x128xf32, #tpu.memory_space<vmem>>) target(%dma_start3A_110 : memref<10240x128xf32, #tpu.memory_space<vmem_shared>>) offsets(%dma_start3A_107 : memref<128xi32, #tpu.memory_space<vmem>>) semaphore(%arg9 : memref<!tpu.dma_semaphore, #tpu.memory_space<semaphore_mem>>) {add = true}
      %mul3A_111 = arith.constant 16 : i32
      %mul3A_112 = arith.muli %scan3A_11, %mul3A_111 : i32
      %add3A_113 = arith.constant 10 : i32
      %add3A_114 = arith.addi %mul3A_112, %add3A_113 : i32
      %dma_start3A_115 = arith.constant 0 : i32
      %dma_start3A_116 = tpu.memref_slice %arg6[%add3A_114, %dma_start3A_115] : memref<160x128xi32, #tpu.memory_space<vmem>> -> memref<1x128xi32, #tpu.memory_space<vmem>>
      %dma_start3A_117 = tpu.memref_squeeze %dma_start3A_116 : memref<1x128xi32, #tpu.memory_space<vmem>> -> memref<128xi32, #tpu.memory_space<vmem>>
      %dma_start3A_118 = arith.constant 0 : i32
      %dma_start3A_119 = arith.constant 0 : i32
      %dma_start3A_120 = tpu.memref_slice %arg8[%dma_start3A_118, %dma_start3A_119] : memref<10240x128xf32, #tpu.memory_space<vmem_shared>> -> memref<10240x128xf32, #tpu.memory_space<vmem_shared>>
      tpu.enqueue_indirect_dma source(%arg7 : memref<128x128xf32, #tpu.memory_space<vmem>>) target(%dma_start3A_120 : memref<10240x128xf32, #tpu.memory_space<vmem_shared>>) offsets(%dma_start3A_117 : memref<128xi32, #tpu.memory_space<vmem>>) semaphore(%arg9 : memref<!tpu.dma_semaphore, #tpu.memory_space<semaphore_mem>>) {add = true}
      %mul3A_121 = arith.constant 16 : i32
      %mul3A_122 = arith.muli %scan3A_11, %mul3A_121 : i32
      %add3A_123 = arith.constant 11 : i32
      %add3A_124 = arith.addi %mul3A_122, %add3A_123 : i32
      %dma_start3A_125 = arith.constant 0 : i32
      %dma_start3A_126 = tpu.memref_slice %arg6[%add3A_124, %dma_start3A_125] : memref<160x128xi32, #tpu.memory_space<vmem>> -> memref<1x128xi32, #tpu.memory_space<vmem>>
      %dma_start3A_127 = tpu.memref_squeeze %dma_start3A_126 : memref<1x128xi32, #tpu.memory_space<vmem>> -> memref<128xi32, #tpu.memory_space<vmem>>
      %dma_start3A_128 = arith.constant 0 : i32
      %dma_start3A_129 = arith.constant 0 : i32
      %dma_start3A_130 = tpu.memref_slice %arg8[%dma_start3A_128, %dma_start3A_129] : memref<10240x128xf32, #tpu.memory_space<vmem_shared>> -> memref<10240x128xf32, #tpu.memory_space<vmem_shared>>
      tpu.enqueue_indirect_dma source(%arg7 : memref<128x128xf32, #tpu.memory_space<vmem>>) target(%dma_start3A_130 : memref<10240x128xf32, #tpu.memory_space<vmem_shared>>) offsets(%dma_start3A_127 : memref<128xi32, #tpu.memory_space<vmem>>) semaphore(%arg9 : memref<!tpu.dma_semaphore, #tpu.memory_space<semaphore_mem>>) {add = true}
      %mul3A_131 = arith.constant 16 : i32
      %mul3A_132 = arith.muli %scan3A_11, %mul3A_131 : i32
      %add3A_133 = arith.constant 12 : i32
      %add3A_134 = arith.addi %mul3A_132, %add3A_133 : i32
      %dma_start3A_135 = arith.constant 0 : i32
      %dma_start3A_136 = tpu.memref_slice %arg6[%add3A_134, %dma_start3A_135] : memref<160x128xi32, #tpu.memory_space<vmem>> -> memref<1x128xi32, #tpu.memory_space<vmem>>
      %dma_start3A_137 = tpu.memref_squeeze %dma_start3A_136 : memref<1x128xi32, #tpu.memory_space<vmem>> -> memref<128xi32, #tpu.memory_space<vmem>>
      %dma_start3A_138 = arith.constant 0 : i32
      %dma_start3A_139 = arith.constant 0 : i32
      %dma_start3A_140 = tpu.memref_slice %arg8[%dma_start3A_138, %dma_start3A_139] : memref<10240x128xf32, #tpu.memory_space<vmem_shared>> -> memref<10240x128xf32, #tpu.memory_space<vmem_shared>>
      tpu.enqueue_indirect_dma source(%arg7 : memref<128x128xf32, #tpu.memory_space<vmem>>) target(%dma_start3A_140 : memref<10240x128xf32, #tpu.memory_space<vmem_shared>>) offsets(%dma_start3A_137 : memref<128xi32, #tpu.memory_space<vmem>>) semaphore(%arg9 : memref<!tpu.dma_semaphore, #tpu.memory_space<semaphore_mem>>) {add = true}
      %mul3A_141 = arith.constant 16 : i32
      %mul3A_142 = arith.muli %scan3A_11, %mul3A_141 : i32
      %add3A_143 = arith.constant 13 : i32
      %add3A_144 = arith.addi %mul3A_142, %add3A_143 : i32
      %dma_start3A_145 = arith.constant 0 : i32
      %dma_start3A_146 = tpu.memref_slice %arg6[%add3A_144, %dma_start3A_145] : memref<160x128xi32, #tpu.memory_space<vmem>> -> memref<1x128xi32, #tpu.memory_space<vmem>>
      %dma_start3A_147 = tpu.memref_squeeze %dma_start3A_146 : memref<1x128xi32, #tpu.memory_space<vmem>> -> memref<128xi32, #tpu.memory_space<vmem>>
      %dma_start3A_148 = arith.constant 0 : i32
      %dma_start3A_149 = arith.constant 0 : i32
      %dma_start3A_150 = tpu.memref_slice %arg8[%dma_start3A_148, %dma_start3A_149] : memref<10240x128xf32, #tpu.memory_space<vmem_shared>> -> memref<10240x128xf32, #tpu.memory_space<vmem_shared>>
      tpu.enqueue_indirect_dma source(%arg7 : memref<128x128xf32, #tpu.memory_space<vmem>>) target(%dma_start3A_150 : memref<10240x128xf32, #tpu.memory_space<vmem_shared>>) offsets(%dma_start3A_147 : memref<128xi32, #tpu.memory_space<vmem>>) semaphore(%arg9 : memref<!tpu.dma_semaphore, #tpu.memory_space<semaphore_mem>>) {add = true}
      %mul3A_151 = arith.constant 16 : i32
      %mul3A_152 = arith.muli %scan3A_11, %mul3A_151 : i32
      %add3A_153 = arith.constant 14 : i32
      %add3A_154 = arith.addi %mul3A_152, %add3A_153 : i32
      %dma_start3A_155 = arith.constant 0 : i32
      %dma_start3A_156 = tpu.memref_slice %arg6[%add3A_154, %dma_start3A_155] : memref<160x128xi32, #tpu.memory_space<vmem>> -> memref<1x128xi32, #tpu.memory_space<vmem>>
      %dma_start3A_157 = tpu.memref_squeeze %dma_start3A_156 : memref<1x128xi32, #tpu.memory_space<vmem>> -> memref<128xi32, #tpu.memory_space<vmem>>
      %dma_start3A_158 = arith.constant 0 : i32
      %dma_start3A_159 = arith.constant 0 : i32
      %dma_start3A_160 = tpu.memref_slice %arg8[%dma_start3A_158, %dma_start3A_159] : memref<10240x128xf32, #tpu.memory_space<vmem_shared>> -> memref<10240x128xf32, #tpu.memory_space<vmem_shared>>
      tpu.enqueue_indirect_dma source(%arg7 : memref<128x128xf32, #tpu.memory_space<vmem>>) target(%dma_start3A_160 : memref<10240x128xf32, #tpu.memory_space<vmem_shared>>) offsets(%dma_start3A_157 : memref<128xi32, #tpu.memory_space<vmem>>) semaphore(%arg9 : memref<!tpu.dma_semaphore, #tpu.memory_space<semaphore_mem>>) {add = true}
      %mul3A_161 = arith.constant 16 : i32
      %mul3A_162 = arith.muli %scan3A_11, %mul3A_161 : i32
      %add3A_163 = arith.constant 15 : i32
      %add3A_164 = arith.addi %mul3A_162, %add3A_163 : i32
      %dma_start3A_165 = arith.constant 0 : i32
      %dma_start3A_166 = tpu.memref_slice %arg6[%add3A_164, %dma_start3A_165] : memref<160x128xi32, #tpu.memory_space<vmem>> -> memref<1x128xi32, #tpu.memory_space<vmem>>
      %dma_start3A_167 = tpu.memref_squeeze %dma_start3A_166 : memref<1x128xi32, #tpu.memory_space<vmem>> -> memref<128xi32, #tpu.memory_space<vmem>>
      %dma_start3A_168 = arith.constant 0 : i32
      %dma_start3A_169 = arith.constant 0 : i32
      %dma_start3A_170 = tpu.memref_slice %arg8[%dma_start3A_168, %dma_start3A_169] : memref<10240x128xf32, #tpu.memory_space<vmem_shared>> -> memref<10240x128xf32, #tpu.memory_space<vmem_shared>>
      tpu.enqueue_indirect_dma source(%arg7 : memref<128x128xf32, #tpu.memory_space<vmem>>) target(%dma_start3A_170 : memref<10240x128xf32, #tpu.memory_space<vmem_shared>>) offsets(%dma_start3A_167 : memref<128xi32, #tpu.memory_space<vmem>>) semaphore(%arg9 : memref<!tpu.dma_semaphore, #tpu.memory_space<semaphore_mem>>) {add = true}
      %dma_wait3A = arith.constant 0 : i32
      %dma_wait3A_171 = tpu.memref_slice %arg6[%add3A_15, %dma_wait3A] : memref<160x128xi32, #tpu.memory_space<vmem>> -> memref<1x128xi32, #tpu.memory_space<vmem>>
      %dma_wait3A_172 = tpu.memref_squeeze %dma_wait3A_171 : memref<1x128xi32, #tpu.memory_space<vmem>> -> memref<128xi32, #tpu.memory_space<vmem>>
      %dma_wait3A_173 = arith.constant 0 : i32
      %dma_wait3A_174 = arith.constant 0 : i32
      %dma_wait3A_175 = tpu.memref_slice %arg8[%dma_wait3A_173, %dma_wait3A_174] : memref<10240x128xf32, #tpu.memory_space<vmem_shared>> -> memref<10240x128xf32, #tpu.memory_space<vmem_shared>>
      tpu.wait_indirect_dma semaphore(%arg9 : memref<!tpu.dma_semaphore, #tpu.memory_space<semaphore_mem>>) src(%arg7 : memref<128x128xf32, #tpu.memory_space<vmem>>) dst(%dma_wait3A_175 : memref<10240x128xf32, #tpu.memory_space<vmem_shared>>)
      %dma_wait3A_176 = arith.constant 0 : i32
      %dma_wait3A_177 = tpu.memref_slice %arg6[%add3A_24, %dma_wait3A_176] : memref<160x128xi32, #tpu.memory_space<vmem>> -> memref<1x128xi32, #tpu.memory_space<vmem>>
      %dma_wait3A_178 = tpu.memref_squeeze %dma_wait3A_177 : memref<1x128xi32, #tpu.memory_space<vmem>> -> memref<128xi32, #tpu.memory_space<vmem>>
      %dma_wait3A_179 = arith.constant 0 : i32
      %dma_wait3A_180 = arith.constant 0 : i32
      %dma_wait3A_181 = tpu.memref_slice %arg8[%dma_wait3A_179, %dma_wait3A_180] : memref<10240x128xf32, #tpu.memory_space<vmem_shared>> -> memref<10240x128xf32, #tpu.memory_space<vmem_shared>>
      tpu.wait_indirect_dma semaphore(%arg9 : memref<!tpu.dma_semaphore, #tpu.memory_space<semaphore_mem>>) src(%arg7 : memref<128x128xf32, #tpu.memory_space<vmem>>) dst(%dma_wait3A_181 : memref<10240x128xf32, #tpu.memory_space<vmem_shared>>)
      %dma_wait3A_182 = arith.constant 0 : i32
      %dma_wait3A_183 = tpu.memref_slice %arg6[%add3A_34, %dma_wait3A_182] : memref<160x128xi32, #tpu.memory_space<vmem>> -> memref<1x128xi32, #tpu.memory_space<vmem>>
      %dma_wait3A_184 = tpu.memref_squeeze %dma_wait3A_183 : memref<1x128xi32, #tpu.memory_space<vmem>> -> memref<128xi32, #tpu.memory_space<vmem>>
      %dma_wait3A_185 = arith.constant 0 : i32
      %dma_wait3A_186 = arith.constant 0 : i32
      %dma_wait3A_187 = tpu.memref_slice %arg8[%dma_wait3A_185, %dma_wait3A_186] : memref<10240x128xf32, #tpu.memory_space<vmem_shared>> -> memref<10240x128xf32, #tpu.memory_space<vmem_shared>>
      tpu.wait_indirect_dma semaphore(%arg9 : memref<!tpu.dma_semaphore, #tpu.memory_space<semaphore_mem>>) src(%arg7 : memref<128x128xf32, #tpu.memory_space<vmem>>) dst(%dma_wait3A_187 : memref<10240x128xf32, #tpu.memory_space<vmem_shared>>)
      %dma_wait3A_188 = arith.constant 0 : i32
      %dma_wait3A_189 = tpu.memref_slice %arg6[%add3A_44, %dma_wait3A_188] : memref<160x128xi32, #tpu.memory_space<vmem>> -> memref<1x128xi32, #tpu.memory_space<vmem>>
      %dma_wait3A_190 = tpu.memref_squeeze %dma_wait3A_189 : memref<1x128xi32, #tpu.memory_space<vmem>> -> memref<128xi32, #tpu.memory_space<vmem>>
      %dma_wait3A_191 = arith.constant 0 : i32
      %dma_wait3A_192 = arith.constant 0 : i32
      %dma_wait3A_193 = tpu.memref_slice %arg8[%dma_wait3A_191, %dma_wait3A_192] : memref<10240x128xf32, #tpu.memory_space<vmem_shared>> -> memref<10240x128xf32, #tpu.memory_space<vmem_shared>>
      tpu.wait_indirect_dma semaphore(%arg9 : memref<!tpu.dma_semaphore, #tpu.memory_space<semaphore_mem>>) src(%arg7 : memref<128x128xf32, #tpu.memory_space<vmem>>) dst(%dma_wait3A_193 : memref<10240x128xf32, #tpu.memory_space<vmem_shared>>)
      %dma_wait3A_194 = arith.constant 0 : i32
      %dma_wait3A_195 = tpu.memref_slice %arg6[%add3A_54, %dma_wait3A_194] : memref<160x128xi32, #tpu.memory_space<vmem>> -> memref<1x128xi32, #tpu.memory_space<vmem>>
      %dma_wait3A_196 = tpu.memref_squeeze %dma_wait3A_195 : memref<1x128xi32, #tpu.memory_space<vmem>> -> memref<128xi32, #tpu.memory_space<vmem>>
      %dma_wait3A_197 = arith.constant 0 : i32
      %dma_wait3A_198 = arith.constant 0 : i32
      %dma_wait3A_199 = tpu.memref_slice %arg8[%dma_wait3A_197, %dma_wait3A_198] : memref<10240x128xf32, #tpu.memory_space<vmem_shared>> -> memref<10240x128xf32, #tpu.memory_space<vmem_shared>>
      tpu.wait_indirect_dma semaphore(%arg9 : memref<!tpu.dma_semaphore, #tpu.memory_space<semaphore_mem>>) src(%arg7 : memref<128x128xf32, #tpu.memory_space<vmem>>) dst(%dma_wait3A_199 : memref<10240x128xf32, #tpu.memory_space<vmem_shared>>)
      %dma_wait3A_200 = arith.constant 0 : i32
      %dma_wait3A_201 = tpu.memref_slice %arg6[%add3A_64, %dma_wait3A_200] : memref<160x128xi32, #tpu.memory_space<vmem>> -> memref<1x128xi32, #tpu.memory_space<vmem>>
      %dma_wait3A_202 = tpu.memref_squeeze %dma_wait3A_201 : memref<1x128xi32, #tpu.memory_space<vmem>> -> memref<128xi32, #tpu.memory_space<vmem>>
      %dma_wait3A_203 = arith.constant 0 : i32
      %dma_wait3A_204 = arith.constant 0 : i32
      %dma_wait3A_205 = tpu.memref_slice %arg8[%dma_wait3A_203, %dma_wait3A_204] : memref<10240x128xf32, #tpu.memory_space<vmem_shared>> -> memref<10240x128xf32, #tpu.memory_space<vmem_shared>>
      tpu.wait_indirect_dma semaphore(%arg9 : memref<!tpu.dma_semaphore, #tpu.memory_space<semaphore_mem>>) src(%arg7 : memref<128x128xf32, #tpu.memory_space<vmem>>) dst(%dma_wait3A_205 : memref<10240x128xf32, #tpu.memory_space<vmem_shared>>)
      %dma_wait3A_206 = arith.constant 0 : i32
      %dma_wait3A_207 = tpu.memref_slice %arg6[%add3A_74, %dma_wait3A_206] : memref<160x128xi32, #tpu.memory_space<vmem>> -> memref<1x128xi32, #tpu.memory_space<vmem>>
      %dma_wait3A_208 = tpu.memref_squeeze %dma_wait3A_207 : memref<1x128xi32, #tpu.memory_space<vmem>> -> memref<128xi32, #tpu.memory_space<vmem>>
      %dma_wait3A_209 = arith.constant 0 : i32
      %dma_wait3A_210 = arith.constant 0 : i32
      %dma_wait3A_211 = tpu.memref_slice %arg8[%dma_wait3A_209, %dma_wait3A_210] : memref<10240x128xf32, #tpu.memory_space<vmem_shared>> -> memref<10240x128xf32, #tpu.memory_space<vmem_shared>>
      tpu.wait_indirect_dma semaphore(%arg9 : memref<!tpu.dma_semaphore, #tpu.memory_space<semaphore_mem>>) src(%arg7 : memref<128x128xf32, #tpu.memory_space<vmem>>) dst(%dma_wait3A_211 : memref<10240x128xf32, #tpu.memory_space<vmem_shared>>)
      %dma_wait3A_212 = arith.constant 0 : i32
      %dma_wait3A_213 = tpu.memref_slice %arg6[%add3A_84, %dma_wait3A_212] : memref<160x128xi32, #tpu.memory_space<vmem>> -> memref<1x128xi32, #tpu.memory_space<vmem>>
      %dma_wait3A_214 = tpu.memref_squeeze %dma_wait3A_213 : memref<1x128xi32, #tpu.memory_space<vmem>> -> memref<128xi32, #tpu.memory_space<vmem>>
      %dma_wait3A_215 = arith.constant 0 : i32
      %dma_wait3A_216 = arith.constant 0 : i32
      %dma_wait3A_217 = tpu.memref_slice %arg8[%dma_wait3A_215, %dma_wait3A_216] : memref<10240x128xf32, #tpu.memory_space<vmem_shared>> -> memref<10240x128xf32, #tpu.memory_space<vmem_shared>>
      tpu.wait_indirect_dma semaphore(%arg9 : memref<!tpu.dma_semaphore, #tpu.memory_space<semaphore_mem>>) src(%arg7 : memref<128x128xf32, #tpu.memory_space<vmem>>) dst(%dma_wait3A_217 : memref<10240x128xf32, #tpu.memory_space<vmem_shared>>)
      %dma_wait3A_218 = arith.constant 0 : i32
      %dma_wait3A_219 = tpu.memref_slice %arg6[%add3A_94, %dma_wait3A_218] : memref<160x128xi32, #tpu.memory_space<vmem>> -> memref<1x128xi32, #tpu.memory_space<vmem>>
      %dma_wait3A_220 = tpu.memref_squeeze %dma_wait3A_219 : memref<1x128xi32, #tpu.memory_space<vmem>> -> memref<128xi32, #tpu.memory_space<vmem>>
      %dma_wait3A_221 = arith.constant 0 : i32
      %dma_wait3A_222 = arith.constant 0 : i32
      %dma_wait3A_223 = tpu.memref_slice %arg8[%dma_wait3A_221, %dma_wait3A_222] : memref<10240x128xf32, #tpu.memory_space<vmem_shared>> -> memref<10240x128xf32, #tpu.memory_space<vmem_shared>>
      tpu.wait_indirect_dma semaphore(%arg9 : memref<!tpu.dma_semaphore, #tpu.memory_space<semaphore_mem>>) src(%arg7 : memref<128x128xf32, #tpu.memory_space<vmem>>) dst(%dma_wait3A_223 : memref<10240x128xf32, #tpu.memory_space<vmem_shared>>)
      %dma_wait3A_224 = arith.constant 0 : i32
      %dma_wait3A_225 = tpu.memref_slice %arg6[%add3A_104, %dma_wait3A_224] : memref<160x128xi32, #tpu.memory_space<vmem>> -> memref<1x128xi32, #tpu.memory_space<vmem>>
      %dma_wait3A_226 = tpu.memref_squeeze %dma_wait3A_225 : memref<1x128xi32, #tpu.memory_space<vmem>> -> memref<128xi32, #tpu.memory_space<vmem>>
      %dma_wait3A_227 = arith.constant 0 : i32
      %dma_wait3A_228 = arith.constant 0 : i32
      %dma_wait3A_229 = tpu.memref_slice %arg8[%dma_wait3A_227, %dma_wait3A_228] : memref<10240x128xf32, #tpu.memory_space<vmem_shared>> -> memref<10240x128xf32, #tpu.memory_space<vmem_shared>>
      tpu.wait_indirect_dma semaphore(%arg9 : memref<!tpu.dma_semaphore, #tpu.memory_space<semaphore_mem>>) src(%arg7 : memref<128x128xf32, #tpu.memory_space<vmem>>) dst(%dma_wait3A_229 : memref<10240x128xf32, #tpu.memory_space<vmem_shared>>)
      %dma_wait3A_230 = arith.constant 0 : i32
      %dma_wait3A_231 = tpu.memref_slice %arg6[%add3A_114, %dma_wait3A_230] : memref<160x128xi32, #tpu.memory_space<vmem>> -> memref<1x128xi32, #tpu.memory_space<vmem>>
      %dma_wait3A_232 = tpu.memref_squeeze %dma_wait3A_231 : memref<1x128xi32, #tpu.memory_space<vmem>> -> memref<128xi32, #tpu.memory_space<vmem>>
      %dma_wait3A_233 = arith.constant 0 : i32
      %dma_wait3A_234 = arith.constant 0 : i32
      %dma_wait3A_235 = tpu.memref_slice %arg8[%dma_wait3A_233, %dma_wait3A_234] : memref<10240x128xf32, #tpu.memory_space<vmem_shared>> -> memref<10240x128xf32, #tpu.memory_space<vmem_shared>>
      tpu.wait_indirect_dma semaphore(%arg9 : memref<!tpu.dma_semaphore, #tpu.memory_space<semaphore_mem>>) src(%arg7 : memref<128x128xf32, #tpu.memory_space<vmem>>) dst(%dma_wait3A_235 : memref<10240x128xf32, #tpu.memory_space<vmem_shared>>)
      %dma_wait3A_236 = arith.constant 0 : i32
      %dma_wait3A_237 = tpu.memref_slice %arg6[%add3A_124, %dma_wait3A_236] : memref<160x128xi32, #tpu.memory_space<vmem>> -> memref<1x128xi32, #tpu.memory_space<vmem>>
      %dma_wait3A_238 = tpu.memref_squeeze %dma_wait3A_237 : memref<1x128xi32, #tpu.memory_space<vmem>> -> memref<128xi32, #tpu.memory_space<vmem>>
      %dma_wait3A_239 = arith.constant 0 : i32
      %dma_wait3A_240 = arith.constant 0 : i32
      %dma_wait3A_241 = tpu.memref_slice %arg8[%dma_wait3A_239, %dma_wait3A_240] : memref<10240x128xf32, #tpu.memory_space<vmem_shared>> -> memref<10240x128xf32, #tpu.memory_space<vmem_shared>>
      tpu.wait_indirect_dma semaphore(%arg9 : memref<!tpu.dma_semaphore, #tpu.memory_space<semaphore_mem>>) src(%arg7 : memref<128x128xf32, #tpu.memory_space<vmem>>) dst(%dma_wait3A_241 : memref<10240x128xf32, #tpu.memory_space<vmem_shared>>)
      %dma_wait3A_242 = arith.constant 0 : i32
      %dma_wait3A_243 = tpu.memref_slice %arg6[%add3A_134, %dma_wait3A_242] : memref<160x128xi32, #tpu.memory_space<vmem>> -> memref<1x128xi32, #tpu.memory_space<vmem>>
      %dma_wait3A_244 = tpu.memref_squeeze %dma_wait3A_243 : memref<1x128xi32, #tpu.memory_space<vmem>> -> memref<128xi32, #tpu.memory_space<vmem>>
      %dma_wait3A_245 = arith.constant 0 : i32
      %dma_wait3A_246 = arith.constant 0 : i32
      %dma_wait3A_247 = tpu.memref_slice %arg8[%dma_wait3A_245, %dma_wait3A_246] : memref<10240x128xf32, #tpu.memory_space<vmem_shared>> -> memref<10240x128xf32, #tpu.memory_space<vmem_shared>>
      tpu.wait_indirect_dma semaphore(%arg9 : memref<!tpu.dma_semaphore, #tpu.memory_space<semaphore_mem>>) src(%arg7 : memref<128x128xf32, #tpu.memory_space<vmem>>) dst(%dma_wait3A_247 : memref<10240x128xf32, #tpu.memory_space<vmem_shared>>)
      %dma_wait3A_248 = arith.constant 0 : i32
      %dma_wait3A_249 = tpu.memref_slice %arg6[%add3A_144, %dma_wait3A_248] : memref<160x128xi32, #tpu.memory_space<vmem>> -> memref<1x128xi32, #tpu.memory_space<vmem>>
      %dma_wait3A_250 = tpu.memref_squeeze %dma_wait3A_249 : memref<1x128xi32, #tpu.memory_space<vmem>> -> memref<128xi32, #tpu.memory_space<vmem>>
      %dma_wait3A_251 = arith.constant 0 : i32
      %dma_wait3A_252 = arith.constant 0 : i32
      %dma_wait3A_253 = tpu.memref_slice %arg8[%dma_wait3A_251, %dma_wait3A_252] : memref<10240x128xf32, #tpu.memory_space<vmem_shared>> -> memref<10240x128xf32, #tpu.memory_space<vmem_shared>>
      tpu.wait_indirect_dma semaphore(%arg9 : memref<!tpu.dma_semaphore, #tpu.memory_space<semaphore_mem>>) src(%arg7 : memref<128x128xf32, #tpu.memory_space<vmem>>) dst(%dma_wait3A_253 : memref<10240x128xf32, #tpu.memory_space<vmem_shared>>)
      %dma_wait3A_254 = arith.constant 0 : i32
      %dma_wait3A_255 = tpu.memref_slice %arg6[%add3A_154, %dma_wait3A_254] : memref<160x128xi32, #tpu.memory_space<vmem>> -> memref<1x128xi32, #tpu.memory_space<vmem>>
      %dma_wait3A_256 = tpu.memref_squeeze %dma_wait3A_255 : memref<1x128xi32, #tpu.memory_space<vmem>> -> memref<128xi32, #tpu.memory_space<vmem>>
      %dma_wait3A_257 = arith.constant 0 : i32
      %dma_wait3A_258 = arith.constant 0 : i32
      %dma_wait3A_259 = tpu.memref_slice %arg8[%dma_wait3A_257, %dma_wait3A_258] : memref<10240x128xf32, #tpu.memory_space<vmem_shared>> -> memref<10240x128xf32, #tpu.memory_space<vmem_shared>>
      tpu.wait_indirect_dma semaphore(%arg9 : memref<!tpu.dma_semaphore, #tpu.memory_space<semaphore_mem>>) src(%arg7 : memref<128x128xf32, #tpu.memory_space<vmem>>) dst(%dma_wait3A_259 : memref<10240x128xf32, #tpu.memory_space<vmem_shared>>)
      %dma_wait3A_260 = arith.constant 0 : i32
      %dma_wait3A_261 = tpu.memref_slice %arg6[%add3A_164, %dma_wait3A_260] : memref<160x128xi32, #tpu.memory_space<vmem>> -> memref<1x128xi32, #tpu.memory_space<vmem>>
      %dma_wait3A_262 = tpu.memref_squeeze %dma_wait3A_261 : memref<1x128xi32, #tpu.memory_space<vmem>> -> memref<128xi32, #tpu.memory_space<vmem>>
      %dma_wait3A_263 = arith.constant 0 : i32
      %dma_wait3A_264 = arith.constant 0 : i32
      %dma_wait3A_265 = tpu.memref_slice %arg8[%dma_wait3A_263, %dma_wait3A_264] : memref<10240x128xf32, #tpu.memory_space<vmem_shared>> -> memref<10240x128xf32, #tpu.memory_space<vmem_shared>>
      tpu.wait_indirect_dma semaphore(%arg9 : memref<!tpu.dma_semaphore, #tpu.memory_space<semaphore_mem>>) src(%arg7 : memref<128x128xf32, #tpu.memory_space<vmem>>) dst(%dma_wait3A_265 : memref<10240x128xf32, #tpu.memory_space<vmem_shared>>)
    }
    %scan3A_9 = arith.constant 10 : i32
    %barrier3A_10 = arith.constant 0 : index
    tpu.barrier barrier_id(%barrier3A_10)
    "tpu.region"() ({
      %run_scoped3A = tpu.sem_alloc : memref<!tpu.dma_semaphore, #tpu.memory_space<semaphore_mem>>
      %dma_start3A = arith.constant 0 : i32
      %dma_start3A_11 = tpu.memref_slice %arg5[%arg0, %mul3A_0, %dma_start3A] : memref<2x10240x128xf32, #tpu.memory_space<hbm>> -> memref<1x640x128xf32, #tpu.memory_space<hbm>>
      %dma_start3A_12 = tpu.memref_squeeze %dma_start3A_11 : memref<1x640x128xf32, #tpu.memory_space<hbm>> -> memref<640x128xf32, #tpu.memory_space<hbm>>
      %dma_start3A_13 = arith.constant 0 : i32
      %dma_start3A_14 = tpu.memref_slice %arg8[%mul3A_0, %dma_start3A_13] : memref<10240x128xf32, #tpu.memory_space<vmem_shared>> -> memref<640x128xf32, #tpu.memory_space<vmem_shared>>
      tpu.enqueue_dma source(%dma_start3A_14 : memref<640x128xf32, #tpu.memory_space<vmem_shared>>) target(%dma_start3A_12 : memref<640x128xf32, #tpu.memory_space<hbm>>) target_semaphore(%run_scoped3A : memref<!tpu.dma_semaphore, #tpu.memory_space<semaphore_mem>>)
      %dma_wait3A = arith.constant 0 : i32
      %dma_wait3A_15 = tpu.memref_slice %arg5[%arg0, %mul3A_0, %dma_wait3A] : memref<2x10240x128xf32, #tpu.memory_space<hbm>> -> memref<1x640x128xf32, #tpu.memory_space<hbm>>
      %dma_wait3A_16 = tpu.memref_squeeze %dma_wait3A_15 : memref<1x640x128xf32, #tpu.memory_space<hbm>> -> memref<640x128xf32, #tpu.memory_space<hbm>>
      %dma_wait3A_17 = arith.constant 0 : i32
      %dma_wait3A_18 = tpu.memref_slice %arg8[%mul3A_0, %dma_wait3A_17] : memref<10240x128xf32, #tpu.memory_space<vmem_shared>> -> memref<640x128xf32, #tpu.memory_space<vmem_shared>>
      tpu.wait_dma2 semaphore(%run_scoped3A : memref<!tpu.dma_semaphore, #tpu.memory_space<semaphore_mem>>) src(%dma_wait3A_18 : memref<640x128xf32, #tpu.memory_space<vmem_shared>>) dst(%dma_wait3A_16 : memref<640x128xf32, #tpu.memory_space<hbm>>)
      tpu.yield
    }) : () -> ()
    return
  }
}

#map = affine_map<(d0, d1) -> (0, 0)>
#map1 = affine_map<(d0, d1) -> (0, 0, 0)>
module attributes {stable_mosaic.version = 14 : i64} {
  func.func @k(%arg0: i32, %arg1: i32, %arg2: memref<10240x128xf32, #tpu.memory_space<hbm>>, %arg3: memref<5120x128xi32, #tpu.memory_space<hbm>>, %arg4: memref<10240x128xf32, #tpu.memory_space<hbm>>, %arg5: memref<2x10240x128xf32, #tpu.memory_space<hbm>>, %arg6: memref<40x128xi32, #tpu.memory_space<vmem>>, %arg7: memref<40x128xi32, #tpu.memory_space<vmem>>, %arg8: memref<128x128xf32, #tpu.memory_space<vmem>>, %arg9: memref<128x128xf32, #tpu.memory_space<vmem>>, %arg10: memref<10240x128xf32, #tpu.memory_space<vmem_shared>>, %arg11: memref<!tpu.dma_semaphore, #tpu.memory_space<semaphore_mem>>, %arg12: memref<!tpu.dma_semaphore, #tpu.memory_space<semaphore_mem>>, %arg13: memref<!tpu.dma_semaphore, #tpu.memory_space<semaphore_mem>>, %arg14: memref<!tpu.dma_semaphore, #tpu.memory_space<semaphore_mem>>) attributes {dimension_semantics = [#tpu.dimension_semantics<core_parallel>, #tpu.dimension_semantics<subcore_parallel>], iteration_bounds = array<i64: 2, 16>, scalar_prefetch = 0 : i64, scratch_operands = 9 : i64, tpu.core_type = #tpu.core_type<sc_vector_subcore>, window_params = [{transform_indices = #map}, {transform_indices = #map}, {transform_indices = #map}, {transform_indices = #map1}]} {
    %mul3A = arith.constant 640 : i32
    %mul3A_0 = arith.muli %arg1, %mul3A : i32
    "tpu.region"() ({
      %run_scoped3A = tpu.sem_alloc : memref<!tpu.dma_semaphore, #tpu.memory_space<semaphore_mem>>
      %dma_start3A = arith.constant 0 : i32
      %dma_start3A_26 = tpu.memref_slice %arg10[%mul3A_0, %dma_start3A] : memref<10240x128xf32, #tpu.memory_space<vmem_shared>> -> memref<640x128xf32, #tpu.memory_space<vmem_shared>>
      %dma_start3A_27 = arith.constant 0 : i32
      %dma_start3A_28 = tpu.memref_slice %arg4[%mul3A_0, %dma_start3A_27] : memref<10240x128xf32, #tpu.memory_space<hbm>> -> memref<640x128xf32, #tpu.memory_space<hbm>>
      tpu.enqueue_dma source(%dma_start3A_28 : memref<640x128xf32, #tpu.memory_space<hbm>>) target(%dma_start3A_26 : memref<640x128xf32, #tpu.memory_space<vmem_shared>>) target_semaphore(%run_scoped3A : memref<!tpu.dma_semaphore, #tpu.memory_space<semaphore_mem>>)
      %dma_wait3A_29 = arith.constant 0 : i32
      %dma_wait3A_30 = tpu.memref_slice %arg10[%mul3A_0, %dma_wait3A_29] : memref<10240x128xf32, #tpu.memory_space<vmem_shared>> -> memref<640x128xf32, #tpu.memory_space<vmem_shared>>
      %dma_wait3A_31 = arith.constant 0 : i32
      %dma_wait3A_32 = tpu.memref_slice %arg4[%mul3A_0, %dma_wait3A_31] : memref<10240x128xf32, #tpu.memory_space<hbm>> -> memref<640x128xf32, #tpu.memory_space<hbm>>
      tpu.wait_dma2 semaphore(%run_scoped3A : memref<!tpu.dma_semaphore, #tpu.memory_space<semaphore_mem>>) src(%dma_wait3A_32 : memref<640x128xf32, #tpu.memory_space<hbm>>) dst(%dma_wait3A_30 : memref<640x128xf32, #tpu.memory_space<vmem_shared>>)
      tpu.yield
    }) : () -> ()
    %mul3A_1 = arith.constant 1280 : i32
    %mul3A_2 = arith.muli %arg0, %mul3A_1 : i32
    %mul3A_3 = arith.constant 80 : i32
    %mul3A_4 = arith.muli %arg1, %mul3A_3 : i32
    %add3A = arith.addi %mul3A_2, %mul3A_4 : i32
    "tpu.region"() ({
      %run_scoped3A = tpu.sem_alloc : memref<!tpu.dma_semaphore, #tpu.memory_space<semaphore_mem>>
      %dma_start3A = arith.constant 0 : i32
      %dma_start3A_26 = tpu.memref_slice %arg3[%add3A, %dma_start3A] : memref<5120x128xi32, #tpu.memory_space<hbm>> -> memref<40x128xi32, #tpu.memory_space<hbm>>
      %dma_start3A_27 = arith.constant 0 : i32
      %dma_start3A_28 = tpu.memref_slice %arg3[%add3A, %dma_start3A_27] : memref<5120x128xi32, #tpu.memory_space<hbm>> -> memref<40x128xi32, #tpu.memory_space<hbm>>
      tpu.enqueue_dma source(%dma_start3A_28 : memref<40x128xi32, #tpu.memory_space<hbm>>) target(%arg6 : memref<40x128xi32, #tpu.memory_space<vmem>>) target_semaphore(%run_scoped3A : memref<!tpu.dma_semaphore, #tpu.memory_space<semaphore_mem>>)
      %dma_wait3A_29 = arith.constant 0 : i32
      %dma_wait3A_30 = tpu.memref_slice %arg3[%add3A, %dma_wait3A_29] : memref<5120x128xi32, #tpu.memory_space<hbm>> -> memref<40x128xi32, #tpu.memory_space<hbm>>
      %dma_wait3A_31 = arith.constant 0 : i32
      %dma_wait3A_32 = tpu.memref_slice %arg3[%add3A, %dma_wait3A_31] : memref<5120x128xi32, #tpu.memory_space<hbm>> -> memref<40x128xi32, #tpu.memory_space<hbm>>
      tpu.wait_dma2 semaphore(%run_scoped3A : memref<!tpu.dma_semaphore, #tpu.memory_space<semaphore_mem>>) src(%dma_wait3A_32 : memref<40x128xi32, #tpu.memory_space<hbm>>) dst(%arg6 : memref<40x128xi32, #tpu.memory_space<vmem>>)
      tpu.yield
    }) : () -> ()
    %add3A_5 = arith.constant 2560 : i32
    %add3A_6 = arith.addi %add3A_5, %add3A : i32
    "tpu.region"() ({
      %run_scoped3A = tpu.sem_alloc : memref<!tpu.dma_semaphore, #tpu.memory_space<semaphore_mem>>
      %dma_start3A = arith.constant 0 : i32
      %dma_start3A_26 = tpu.memref_slice %arg3[%add3A_6, %dma_start3A] : memref<5120x128xi32, #tpu.memory_space<hbm>> -> memref<40x128xi32, #tpu.memory_space<hbm>>
      %dma_start3A_27 = arith.constant 0 : i32
      %dma_start3A_28 = tpu.memref_slice %arg3[%add3A_6, %dma_start3A_27] : memref<5120x128xi32, #tpu.memory_space<hbm>> -> memref<40x128xi32, #tpu.memory_space<hbm>>
      tpu.enqueue_dma source(%dma_start3A_28 : memref<40x128xi32, #tpu.memory_space<hbm>>) target(%arg7 : memref<40x128xi32, #tpu.memory_space<vmem>>) target_semaphore(%run_scoped3A : memref<!tpu.dma_semaphore, #tpu.memory_space<semaphore_mem>>)
      %dma_wait3A_29 = arith.constant 0 : i32
      %dma_wait3A_30 = tpu.memref_slice %arg3[%add3A_6, %dma_wait3A_29] : memref<5120x128xi32, #tpu.memory_space<hbm>> -> memref<40x128xi32, #tpu.memory_space<hbm>>
      %dma_wait3A_31 = arith.constant 0 : i32
      %dma_wait3A_32 = tpu.memref_slice %arg3[%add3A_6, %dma_wait3A_31] : memref<5120x128xi32, #tpu.memory_space<hbm>> -> memref<40x128xi32, #tpu.memory_space<hbm>>
      tpu.wait_dma2 semaphore(%run_scoped3A : memref<!tpu.dma_semaphore, #tpu.memory_space<semaphore_mem>>) src(%dma_wait3A_32 : memref<40x128xi32, #tpu.memory_space<hbm>>) dst(%arg7 : memref<40x128xi32, #tpu.memory_space<vmem>>)
      tpu.yield
    }) : () -> ()
    %barrier3A = arith.constant 0 : index
    tpu.barrier barrier_id(%barrier3A)
    %scan3A = arith.constant 0 : i32
    %scan3A_7 = arith.constant 0 : i32
    %scan3A_8 = arith.constant 40 : i32
    %scan3A_9 = arith.addi %scan3A_7, %scan3A_8 : i32
    %scan3A_10 = arith.constant 1 : i32
    scf.for %scan3A_26 = %scan3A_7 to %scan3A_9 step %scan3A_10  : i32 {
      %mul3A_27 = arith.constant 2 : i32
      %mul3A_28 = arith.muli %scan3A_26, %mul3A_27 : i32
      %rem3A = arith.constant 40 : i32
      %rem3A_29 = arith.remsi %mul3A_28, %rem3A : i32
      %gt3A = arith.constant 0 : i32
      %gt3A_30 = arith.cmpi sgt, %scan3A_26, %gt3A : i32
      %convert_element_type3A = arith.extui %gt3A_30 : i1 to i32
      %cond3A = arith.constant 0 : i32
      %cond3A_31 = arith.cmpi ne, %convert_element_type3A, %cond3A : i32
      scf.if %cond3A_31 {
        %dma_wait3A_75 = arith.constant 0 : i32
        %dma_wait3A_76 = tpu.memref_slice %arg7[%rem3A_29, %dma_wait3A_75] : memref<40x128xi32, #tpu.memory_space<vmem>> -> memref<1x128xi32, #tpu.memory_space<vmem>>
        %dma_wait3A_77 = tpu.memref_squeeze %dma_wait3A_76 : memref<1x128xi32, #tpu.memory_space<vmem>> -> memref<128xi32, #tpu.memory_space<vmem>>
        %dma_wait3A_78 = arith.constant 0 : i32
        %dma_wait3A_79 = arith.constant 0 : i32
        %dma_wait3A_80 = tpu.memref_slice %arg10[%dma_wait3A_78, %dma_wait3A_79] : memref<10240x128xf32, #tpu.memory_space<vmem_shared>> -> memref<10240x128xf32, #tpu.memory_space<vmem_shared>>
        tpu.wait_indirect_dma semaphore(%arg13 : memref<!tpu.dma_semaphore, #tpu.memory_space<semaphore_mem>>) src(%arg8 : memref<128x128xf32, #tpu.memory_space<vmem>>) dst(%dma_wait3A_80 : memref<10240x128xf32, #tpu.memory_space<vmem_shared>>)
        %dma_wait3A_81 = arith.constant 0 : i32
        %dma_wait3A_82 = tpu.memref_slice %arg7[%rem3A_29, %dma_wait3A_81] : memref<40x128xi32, #tpu.memory_space<vmem>> -> memref<1x128xi32, #tpu.memory_space<vmem>>
        %dma_wait3A_83 = tpu.memref_squeeze %dma_wait3A_82 : memref<1x128xi32, #tpu.memory_space<vmem>> -> memref<128xi32, #tpu.memory_space<vmem>>
        %dma_wait3A_84 = arith.constant 0 : i32
        %dma_wait3A_85 = arith.constant 0 : i32
        %dma_wait3A_86 = tpu.memref_slice %arg10[%dma_wait3A_84, %dma_wait3A_85] : memref<10240x128xf32, #tpu.memory_space<vmem_shared>> -> memref<10240x128xf32, #tpu.memory_space<vmem_shared>>
        tpu.wait_indirect_dma semaphore(%arg14 : memref<!tpu.dma_semaphore, #tpu.memory_space<semaphore_mem>>) src(%arg9 : memref<128x128xf32, #tpu.memory_space<vmem>>) dst(%dma_wait3A_86 : memref<10240x128xf32, #tpu.memory_space<vmem_shared>>)
      } else {
      }
      %eq3A = arith.constant 40 : i32
      %eq3A_32 = arith.cmpi eq, %mul3A_28, %eq3A : i32
      %convert_element_type3A_33 = arith.extui %eq3A_32 : i1 to i32
      %cond3A_34 = arith.constant 0 : i32
      %cond3A_35 = arith.cmpi ne, %convert_element_type3A_33, %cond3A_34 : i32
      scf.if %cond3A_35 {
        %add3A_75 = arith.constant 40 : i32
        %add3A_76 = arith.addi %add3A, %add3A_75 : i32
        "tpu.region"() ({
          %run_scoped3A = tpu.sem_alloc : memref<!tpu.dma_semaphore, #tpu.memory_space<semaphore_mem>>
          %dma_start3A_81 = arith.constant 0 : i32
          %dma_start3A_82 = tpu.memref_slice %arg3[%add3A_76, %dma_start3A_81] : memref<5120x128xi32, #tpu.memory_space<hbm>> -> memref<40x128xi32, #tpu.memory_space<hbm>>
          %dma_start3A_83 = arith.constant 0 : i32
          %dma_start3A_84 = tpu.memref_slice %arg3[%add3A_76, %dma_start3A_83] : memref<5120x128xi32, #tpu.memory_space<hbm>> -> memref<40x128xi32, #tpu.memory_space<hbm>>
          tpu.enqueue_dma source(%dma_start3A_84 : memref<40x128xi32, #tpu.memory_space<hbm>>) target(%arg6 : memref<40x128xi32, #tpu.memory_space<vmem>>) target_semaphore(%run_scoped3A : memref<!tpu.dma_semaphore, #tpu.memory_space<semaphore_mem>>)
          %dma_wait3A_85 = arith.constant 0 : i32
          %dma_wait3A_86 = tpu.memref_slice %arg3[%add3A_76, %dma_wait3A_85] : memref<5120x128xi32, #tpu.memory_space<hbm>> -> memref<40x128xi32, #tpu.memory_space<hbm>>
          %dma_wait3A_87 = arith.constant 0 : i32
          %dma_wait3A_88 = tpu.memref_slice %arg3[%add3A_76, %dma_wait3A_87] : memref<5120x128xi32, #tpu.memory_space<hbm>> -> memref<40x128xi32, #tpu.memory_space<hbm>>
          tpu.wait_dma2 semaphore(%run_scoped3A : memref<!tpu.dma_semaphore, #tpu.memory_space<semaphore_mem>>) src(%dma_wait3A_88 : memref<40x128xi32, #tpu.memory_space<hbm>>) dst(%arg6 : memref<40x128xi32, #tpu.memory_space<vmem>>)
          tpu.yield
        }) : () -> ()
        %add3A_77 = arith.constant 2560 : i32
        %add3A_78 = arith.addi %add3A_77, %add3A : i32
        %add3A_79 = arith.constant 40 : i32
        %add3A_80 = arith.addi %add3A_78, %add3A_79 : i32
        "tpu.region"() ({
          %run_scoped3A = tpu.sem_alloc : memref<!tpu.dma_semaphore, #tpu.memory_space<semaphore_mem>>
          %dma_start3A_81 = arith.constant 0 : i32
          %dma_start3A_82 = tpu.memref_slice %arg3[%add3A_80, %dma_start3A_81] : memref<5120x128xi32, #tpu.memory_space<hbm>> -> memref<40x128xi32, #tpu.memory_space<hbm>>
          %dma_start3A_83 = arith.constant 0 : i32
          %dma_start3A_84 = tpu.memref_slice %arg3[%add3A_80, %dma_start3A_83] : memref<5120x128xi32, #tpu.memory_space<hbm>> -> memref<40x128xi32, #tpu.memory_space<hbm>>
          tpu.enqueue_dma source(%dma_start3A_84 : memref<40x128xi32, #tpu.memory_space<hbm>>) target(%arg7 : memref<40x128xi32, #tpu.memory_space<vmem>>) target_semaphore(%run_scoped3A : memref<!tpu.dma_semaphore, #tpu.memory_space<semaphore_mem>>)
          %dma_wait3A_85 = arith.constant 0 : i32
          %dma_wait3A_86 = tpu.memref_slice %arg3[%add3A_80, %dma_wait3A_85] : memref<5120x128xi32, #tpu.memory_space<hbm>> -> memref<40x128xi32, #tpu.memory_space<hbm>>
          %dma_wait3A_87 = arith.constant 0 : i32
          %dma_wait3A_88 = tpu.memref_slice %arg3[%add3A_80, %dma_wait3A_87] : memref<5120x128xi32, #tpu.memory_space<hbm>> -> memref<40x128xi32, #tpu.memory_space<hbm>>
          tpu.wait_dma2 semaphore(%run_scoped3A : memref<!tpu.dma_semaphore, #tpu.memory_space<semaphore_mem>>) src(%dma_wait3A_88 : memref<40x128xi32, #tpu.memory_space<hbm>>) dst(%arg7 : memref<40x128xi32, #tpu.memory_space<vmem>>)
          tpu.yield
        }) : () -> ()
      } else {
      }
      %dma_start3A = arith.constant 0 : i32
      %dma_start3A_36 = tpu.memref_slice %arg6[%rem3A_29, %dma_start3A] : memref<40x128xi32, #tpu.memory_space<vmem>> -> memref<1x128xi32, #tpu.memory_space<vmem>>
      %dma_start3A_37 = tpu.memref_squeeze %dma_start3A_36 : memref<1x128xi32, #tpu.memory_space<vmem>> -> memref<128xi32, #tpu.memory_space<vmem>>
      %dma_start3A_38 = arith.constant 0 : i32
      %dma_start3A_39 = arith.constant 0 : i32
      %dma_start3A_40 = tpu.memref_slice %arg2[%dma_start3A_38, %dma_start3A_39] : memref<10240x128xf32, #tpu.memory_space<hbm>> -> memref<10240x128xf32, #tpu.memory_space<hbm>>
      tpu.enqueue_indirect_dma source(%dma_start3A_40 : memref<10240x128xf32, #tpu.memory_space<hbm>>) target(%arg8 : memref<128x128xf32, #tpu.memory_space<vmem>>) offsets(%dma_start3A_37 : memref<128xi32, #tpu.memory_space<vmem>>) semaphore(%arg11 : memref<!tpu.dma_semaphore, #tpu.memory_space<semaphore_mem>>)
      %add3A_41 = arith.constant 1 : i32
      %add3A_42 = arith.addi %rem3A_29, %add3A_41 : i32
      %dma_start3A_43 = arith.constant 0 : i32
      %dma_start3A_44 = tpu.memref_slice %arg6[%add3A_42, %dma_start3A_43] : memref<40x128xi32, #tpu.memory_space<vmem>> -> memref<1x128xi32, #tpu.memory_space<vmem>>
      %dma_start3A_45 = tpu.memref_squeeze %dma_start3A_44 : memref<1x128xi32, #tpu.memory_space<vmem>> -> memref<128xi32, #tpu.memory_space<vmem>>
      %dma_start3A_46 = arith.constant 0 : i32
      %dma_start3A_47 = arith.constant 0 : i32
      %dma_start3A_48 = tpu.memref_slice %arg2[%dma_start3A_46, %dma_start3A_47] : memref<10240x128xf32, #tpu.memory_space<hbm>> -> memref<10240x128xf32, #tpu.memory_space<hbm>>
      tpu.enqueue_indirect_dma source(%dma_start3A_48 : memref<10240x128xf32, #tpu.memory_space<hbm>>) target(%arg9 : memref<128x128xf32, #tpu.memory_space<vmem>>) offsets(%dma_start3A_45 : memref<128xi32, #tpu.memory_space<vmem>>) semaphore(%arg12 : memref<!tpu.dma_semaphore, #tpu.memory_space<semaphore_mem>>)
      %dma_wait3A_49 = arith.constant 0 : i32
      %dma_wait3A_50 = tpu.memref_slice %arg6[%rem3A_29, %dma_wait3A_49] : memref<40x128xi32, #tpu.memory_space<vmem>> -> memref<1x128xi32, #tpu.memory_space<vmem>>
      %dma_wait3A_51 = tpu.memref_squeeze %dma_wait3A_50 : memref<1x128xi32, #tpu.memory_space<vmem>> -> memref<128xi32, #tpu.memory_space<vmem>>
      %dma_wait3A_52 = arith.constant 0 : i32
      %dma_wait3A_53 = arith.constant 0 : i32
      %dma_wait3A_54 = tpu.memref_slice %arg2[%dma_wait3A_52, %dma_wait3A_53] : memref<10240x128xf32, #tpu.memory_space<hbm>> -> memref<10240x128xf32, #tpu.memory_space<hbm>>
      tpu.wait_indirect_dma semaphore(%arg11 : memref<!tpu.dma_semaphore, #tpu.memory_space<semaphore_mem>>) src(%dma_wait3A_54 : memref<10240x128xf32, #tpu.memory_space<hbm>>) dst(%arg8 : memref<128x128xf32, #tpu.memory_space<vmem>>)
      %dma_start3A_55 = arith.constant 0 : i32
      %dma_start3A_56 = tpu.memref_slice %arg7[%rem3A_29, %dma_start3A_55] : memref<40x128xi32, #tpu.memory_space<vmem>> -> memref<1x128xi32, #tpu.memory_space<vmem>>
      %dma_start3A_57 = tpu.memref_squeeze %dma_start3A_56 : memref<1x128xi32, #tpu.memory_space<vmem>> -> memref<128xi32, #tpu.memory_space<vmem>>
      %dma_start3A_58 = arith.constant 0 : i32
      %dma_start3A_59 = arith.constant 0 : i32
      %dma_start3A_60 = tpu.memref_slice %arg10[%dma_start3A_58, %dma_start3A_59] : memref<10240x128xf32, #tpu.memory_space<vmem_shared>> -> memref<10240x128xf32, #tpu.memory_space<vmem_shared>>
      tpu.enqueue_indirect_dma source(%arg8 : memref<128x128xf32, #tpu.memory_space<vmem>>) target(%dma_start3A_60 : memref<10240x128xf32, #tpu.memory_space<vmem_shared>>) offsets(%dma_start3A_57 : memref<128xi32, #tpu.memory_space<vmem>>) semaphore(%arg13 : memref<!tpu.dma_semaphore, #tpu.memory_space<semaphore_mem>>) {add = true}
      %dma_wait3A_61 = arith.constant 0 : i32
      %dma_wait3A_62 = tpu.memref_slice %arg6[%add3A_42, %dma_wait3A_61] : memref<40x128xi32, #tpu.memory_space<vmem>> -> memref<1x128xi32, #tpu.memory_space<vmem>>
      %dma_wait3A_63 = tpu.memref_squeeze %dma_wait3A_62 : memref<1x128xi32, #tpu.memory_space<vmem>> -> memref<128xi32, #tpu.memory_space<vmem>>
      %dma_wait3A_64 = arith.constant 0 : i32
      %dma_wait3A_65 = arith.constant 0 : i32
      %dma_wait3A_66 = tpu.memref_slice %arg2[%dma_wait3A_64, %dma_wait3A_65] : memref<10240x128xf32, #tpu.memory_space<hbm>> -> memref<10240x128xf32, #tpu.memory_space<hbm>>
      tpu.wait_indirect_dma semaphore(%arg12 : memref<!tpu.dma_semaphore, #tpu.memory_space<semaphore_mem>>) src(%dma_wait3A_66 : memref<10240x128xf32, #tpu.memory_space<hbm>>) dst(%arg9 : memref<128x128xf32, #tpu.memory_space<vmem>>)
      %add3A_67 = arith.constant 1 : i32
      %add3A_68 = arith.addi %rem3A_29, %add3A_67 : i32
      %dma_start3A_69 = arith.constant 0 : i32
      %dma_start3A_70 = tpu.memref_slice %arg7[%add3A_68, %dma_start3A_69] : memref<40x128xi32, #tpu.memory_space<vmem>> -> memref<1x128xi32, #tpu.memory_space<vmem>>
      %dma_start3A_71 = tpu.memref_squeeze %dma_start3A_70 : memref<1x128xi32, #tpu.memory_space<vmem>> -> memref<128xi32, #tpu.memory_space<vmem>>
      %dma_start3A_72 = arith.constant 0 : i32
      %dma_start3A_73 = arith.constant 0 : i32
      %dma_start3A_74 = tpu.memref_slice %arg10[%dma_start3A_72, %dma_start3A_73] : memref<10240x128xf32, #tpu.memory_space<vmem_shared>> -> memref<10240x128xf32, #tpu.memory_space<vmem_shared>>
      tpu.enqueue_indirect_dma source(%arg9 : memref<128x128xf32, #tpu.memory_space<vmem>>) target(%dma_start3A_74 : memref<10240x128xf32, #tpu.memory_space<vmem_shared>>) offsets(%dma_start3A_71 : memref<128xi32, #tpu.memory_space<vmem>>) semaphore(%arg14 : memref<!tpu.dma_semaphore, #tpu.memory_space<semaphore_mem>>) {add = true}
    }
    %scan3A_11 = arith.constant 40 : i32
    %dma_wait3A = arith.constant 38 : i32
    %dma_wait3A_12 = arith.constant 0 : i32
    %dma_wait3A_13 = tpu.memref_slice %arg7[%dma_wait3A, %dma_wait3A_12] : memref<40x128xi32, #tpu.memory_space<vmem>> -> memref<1x128xi32, #tpu.memory_space<vmem>>
    %dma_wait3A_14 = tpu.memref_squeeze %dma_wait3A_13 : memref<1x128xi32, #tpu.memory_space<vmem>> -> memref<128xi32, #tpu.memory_space<vmem>>
    %dma_wait3A_15 = arith.constant 0 : i32
    %dma_wait3A_16 = arith.constant 0 : i32
    %dma_wait3A_17 = tpu.memref_slice %arg10[%dma_wait3A_15, %dma_wait3A_16] : memref<10240x128xf32, #tpu.memory_space<vmem_shared>> -> memref<10240x128xf32, #tpu.memory_space<vmem_shared>>
    tpu.wait_indirect_dma semaphore(%arg13 : memref<!tpu.dma_semaphore, #tpu.memory_space<semaphore_mem>>) src(%arg8 : memref<128x128xf32, #tpu.memory_space<vmem>>) dst(%dma_wait3A_17 : memref<10240x128xf32, #tpu.memory_space<vmem_shared>>)
    %dma_wait3A_18 = arith.constant 39 : i32
    %dma_wait3A_19 = arith.constant 0 : i32
    %dma_wait3A_20 = tpu.memref_slice %arg7[%dma_wait3A_18, %dma_wait3A_19] : memref<40x128xi32, #tpu.memory_space<vmem>> -> memref<1x128xi32, #tpu.memory_space<vmem>>
    %dma_wait3A_21 = tpu.memref_squeeze %dma_wait3A_20 : memref<1x128xi32, #tpu.memory_space<vmem>> -> memref<128xi32, #tpu.memory_space<vmem>>
    %dma_wait3A_22 = arith.constant 0 : i32
    %dma_wait3A_23 = arith.constant 0 : i32
    %dma_wait3A_24 = tpu.memref_slice %arg10[%dma_wait3A_22, %dma_wait3A_23] : memref<10240x128xf32, #tpu.memory_space<vmem_shared>> -> memref<10240x128xf32, #tpu.memory_space<vmem_shared>>
    tpu.wait_indirect_dma semaphore(%arg14 : memref<!tpu.dma_semaphore, #tpu.memory_space<semaphore_mem>>) src(%arg9 : memref<128x128xf32, #tpu.memory_space<vmem>>) dst(%dma_wait3A_24 : memref<10240x128xf32, #tpu.memory_space<vmem_shared>>)
    %barrier3A_25 = arith.constant 0 : index
    tpu.barrier barrier_id(%barrier3A_25)
    "tpu.region"() ({
      %run_scoped3A = tpu.sem_alloc : memref<!tpu.dma_semaphore, #tpu.memory_space<semaphore_mem>>
      %dma_start3A = arith.constant 0 : i32
      %dma_start3A_26 = tpu.memref_slice %arg5[%arg0, %mul3A_0, %dma_start3A] : memref<2x10240x128xf32, #tpu.memory_space<hbm>> -> memref<1x640x128xf32, #tpu.memory_space<hbm>>
      %dma_start3A_27 = tpu.memref_squeeze %dma_start3A_26 : memref<1x640x128xf32, #tpu.memory_space<hbm>> -> memref<640x128xf32, #tpu.memory_space<hbm>>
      %dma_start3A_28 = arith.constant 0 : i32
      %dma_start3A_29 = tpu.memref_slice %arg10[%mul3A_0, %dma_start3A_28] : memref<10240x128xf32, #tpu.memory_space<vmem_shared>> -> memref<640x128xf32, #tpu.memory_space<vmem_shared>>
      tpu.enqueue_dma source(%dma_start3A_29 : memref<640x128xf32, #tpu.memory_space<vmem_shared>>) target(%dma_start3A_27 : memref<640x128xf32, #tpu.memory_space<hbm>>) target_semaphore(%run_scoped3A : memref<!tpu.dma_semaphore, #tpu.memory_space<semaphore_mem>>)
      %dma_wait3A_30 = arith.constant 0 : i32
      %dma_wait3A_31 = tpu.memref_slice %arg5[%arg0, %mul3A_0, %dma_wait3A_30] : memref<2x10240x128xf32, #tpu.memory_space<hbm>> -> memref<1x640x128xf32, #tpu.memory_space<hbm>>
      %dma_wait3A_32 = tpu.memref_squeeze %dma_wait3A_31 : memref<1x640x128xf32, #tpu.memory_space<hbm>> -> memref<640x128xf32, #tpu.memory_space<hbm>>
      %dma_wait3A_33 = arith.constant 0 : i32
      %dma_wait3A_34 = tpu.memref_slice %arg10[%mul3A_0, %dma_wait3A_33] : memref<10240x128xf32, #tpu.memory_space<vmem_shared>> -> memref<640x128xf32, #tpu.memory_space<vmem_shared>>
      tpu.wait_dma2 semaphore(%run_scoped3A : memref<!tpu.dma_semaphore, #tpu.memory_space<semaphore_mem>>) src(%dma_wait3A_34 : memref<640x128xf32, #tpu.memory_space<vmem_shared>>) dst(%dma_wait3A_32 : memref<640x128xf32, #tpu.memory_space<hbm>>)
      tpu.yield
    }) : () -> ()
    return
  }
}

#map = affine_map<(d0, d1) -> (0, 0)>
#map1 = affine_map<(d0, d1) -> (0, 0, 0)>
module attributes {stable_mosaic.version = 14 : i64} {
  func.func @k(%arg0: i32, %arg1: i32, %arg2: memref<10240x128xf32, #tpu.memory_space<hbm>>, %arg3: memref<5120x128xi32, #tpu.memory_space<hbm>>, %arg4: memref<10240x128xf32, #tpu.memory_space<hbm>>, %arg5: memref<2x10240x128xf32, #tpu.memory_space<hbm>>, %arg6: memref<40x128xi32, #tpu.memory_space<vmem>>, %arg7: memref<40x128xi32, #tpu.memory_space<vmem>>, %arg8: memref<128x128xf32, #tpu.memory_space<vmem>>, %arg9: memref<128x128xf32, #tpu.memory_space<vmem>>, %arg10: memref<10240x128xf32, #tpu.memory_space<vmem_shared>>, %arg11: memref<!tpu.dma_semaphore, #tpu.memory_space<semaphore_mem>>, %arg12: memref<!tpu.dma_semaphore, #tpu.memory_space<semaphore_mem>>, %arg13: memref<!tpu.dma_semaphore, #tpu.memory_space<semaphore_mem>>, %arg14: memref<!tpu.dma_semaphore, #tpu.memory_space<semaphore_mem>>) attributes {dimension_semantics = [#tpu.dimension_semantics<core_parallel>, #tpu.dimension_semantics<subcore_parallel>], iteration_bounds = array<i64: 2, 16>, scalar_prefetch = 0 : i64, scratch_operands = 9 : i64, tpu.core_type = #tpu.core_type<sc_vector_subcore>, window_params = [{transform_indices = #map}, {transform_indices = #map}, {transform_indices = #map}, {transform_indices = #map1}]} {
    %mul3A = arith.constant 640 : i32
    %mul3A_0 = arith.muli %arg1, %mul3A : i32
    "tpu.region"() ({
      %run_scoped3A = tpu.sem_alloc : memref<!tpu.dma_semaphore, #tpu.memory_space<semaphore_mem>>
      %dma_start3A = arith.constant 0 : i32
      %dma_start3A_26 = tpu.memref_slice %arg10[%mul3A_0, %dma_start3A] : memref<10240x128xf32, #tpu.memory_space<vmem_shared>> -> memref<640x128xf32, #tpu.memory_space<vmem_shared>>
      %dma_start3A_27 = arith.constant 0 : i32
      %dma_start3A_28 = tpu.memref_slice %arg4[%mul3A_0, %dma_start3A_27] : memref<10240x128xf32, #tpu.memory_space<hbm>> -> memref<640x128xf32, #tpu.memory_space<hbm>>
      tpu.enqueue_dma source(%dma_start3A_28 : memref<640x128xf32, #tpu.memory_space<hbm>>) target(%dma_start3A_26 : memref<640x128xf32, #tpu.memory_space<vmem_shared>>) target_semaphore(%run_scoped3A : memref<!tpu.dma_semaphore, #tpu.memory_space<semaphore_mem>>)
      %dma_wait3A_29 = arith.constant 0 : i32
      %dma_wait3A_30 = tpu.memref_slice %arg10[%mul3A_0, %dma_wait3A_29] : memref<10240x128xf32, #tpu.memory_space<vmem_shared>> -> memref<640x128xf32, #tpu.memory_space<vmem_shared>>
      %dma_wait3A_31 = arith.constant 0 : i32
      %dma_wait3A_32 = tpu.memref_slice %arg4[%mul3A_0, %dma_wait3A_31] : memref<10240x128xf32, #tpu.memory_space<hbm>> -> memref<640x128xf32, #tpu.memory_space<hbm>>
      tpu.wait_dma2 semaphore(%run_scoped3A : memref<!tpu.dma_semaphore, #tpu.memory_space<semaphore_mem>>) src(%dma_wait3A_32 : memref<640x128xf32, #tpu.memory_space<hbm>>) dst(%dma_wait3A_30 : memref<640x128xf32, #tpu.memory_space<vmem_shared>>)
      tpu.yield
    }) : () -> ()
    %mul3A_1 = arith.constant 1280 : i32
    %mul3A_2 = arith.muli %arg0, %mul3A_1 : i32
    %mul3A_3 = arith.constant 80 : i32
    %mul3A_4 = arith.muli %arg1, %mul3A_3 : i32
    %add3A = arith.addi %mul3A_2, %mul3A_4 : i32
    "tpu.region"() ({
      %run_scoped3A = tpu.sem_alloc : memref<!tpu.dma_semaphore, #tpu.memory_space<semaphore_mem>>
      %dma_start3A = arith.constant 0 : i32
      %dma_start3A_26 = tpu.memref_slice %arg3[%add3A, %dma_start3A] : memref<5120x128xi32, #tpu.memory_space<hbm>> -> memref<40x128xi32, #tpu.memory_space<hbm>>
      %dma_start3A_27 = arith.constant 0 : i32
      %dma_start3A_28 = tpu.memref_slice %arg3[%add3A, %dma_start3A_27] : memref<5120x128xi32, #tpu.memory_space<hbm>> -> memref<40x128xi32, #tpu.memory_space<hbm>>
      tpu.enqueue_dma source(%dma_start3A_28 : memref<40x128xi32, #tpu.memory_space<hbm>>) target(%arg6 : memref<40x128xi32, #tpu.memory_space<vmem>>) target_semaphore(%run_scoped3A : memref<!tpu.dma_semaphore, #tpu.memory_space<semaphore_mem>>)
      %dma_wait3A_29 = arith.constant 0 : i32
      %dma_wait3A_30 = tpu.memref_slice %arg3[%add3A, %dma_wait3A_29] : memref<5120x128xi32, #tpu.memory_space<hbm>> -> memref<40x128xi32, #tpu.memory_space<hbm>>
      %dma_wait3A_31 = arith.constant 0 : i32
      %dma_wait3A_32 = tpu.memref_slice %arg3[%add3A, %dma_wait3A_31] : memref<5120x128xi32, #tpu.memory_space<hbm>> -> memref<40x128xi32, #tpu.memory_space<hbm>>
      tpu.wait_dma2 semaphore(%run_scoped3A : memref<!tpu.dma_semaphore, #tpu.memory_space<semaphore_mem>>) src(%dma_wait3A_32 : memref<40x128xi32, #tpu.memory_space<hbm>>) dst(%arg6 : memref<40x128xi32, #tpu.memory_space<vmem>>)
      tpu.yield
    }) : () -> ()
    %add3A_5 = arith.constant 2560 : i32
    %add3A_6 = arith.addi %add3A_5, %add3A : i32
    "tpu.region"() ({
      %run_scoped3A = tpu.sem_alloc : memref<!tpu.dma_semaphore, #tpu.memory_space<semaphore_mem>>
      %dma_start3A = arith.constant 0 : i32
      %dma_start3A_26 = tpu.memref_slice %arg3[%add3A_6, %dma_start3A] : memref<5120x128xi32, #tpu.memory_space<hbm>> -> memref<40x128xi32, #tpu.memory_space<hbm>>
      %dma_start3A_27 = arith.constant 0 : i32
      %dma_start3A_28 = tpu.memref_slice %arg3[%add3A_6, %dma_start3A_27] : memref<5120x128xi32, #tpu.memory_space<hbm>> -> memref<40x128xi32, #tpu.memory_space<hbm>>
      tpu.enqueue_dma source(%dma_start3A_28 : memref<40x128xi32, #tpu.memory_space<hbm>>) target(%arg7 : memref<40x128xi32, #tpu.memory_space<vmem>>) target_semaphore(%run_scoped3A : memref<!tpu.dma_semaphore, #tpu.memory_space<semaphore_mem>>)
      %dma_wait3A_29 = arith.constant 0 : i32
      %dma_wait3A_30 = tpu.memref_slice %arg3[%add3A_6, %dma_wait3A_29] : memref<5120x128xi32, #tpu.memory_space<hbm>> -> memref<40x128xi32, #tpu.memory_space<hbm>>
      %dma_wait3A_31 = arith.constant 0 : i32
      %dma_wait3A_32 = tpu.memref_slice %arg3[%add3A_6, %dma_wait3A_31] : memref<5120x128xi32, #tpu.memory_space<hbm>> -> memref<40x128xi32, #tpu.memory_space<hbm>>
      tpu.wait_dma2 semaphore(%run_scoped3A : memref<!tpu.dma_semaphore, #tpu.memory_space<semaphore_mem>>) src(%dma_wait3A_32 : memref<40x128xi32, #tpu.memory_space<hbm>>) dst(%arg7 : memref<40x128xi32, #tpu.memory_space<vmem>>)
      tpu.yield
    }) : () -> ()
    %barrier3A = arith.constant 0 : index
    tpu.barrier barrier_id(%barrier3A)
    %scan3A = arith.constant 0 : i32
    %scan3A_7 = arith.constant 0 : i32
    %scan3A_8 = arith.constant 40 : i32
    %scan3A_9 = arith.addi %scan3A_7, %scan3A_8 : i32
    %scan3A_10 = arith.constant 1 : i32
    scf.for %scan3A_26 = %scan3A_7 to %scan3A_9 step %scan3A_10  : i32 {
      %mul3A_27 = arith.constant 2 : i32
      %mul3A_28 = arith.muli %scan3A_26, %mul3A_27 : i32
      %rem3A = arith.constant 40 : i32
      %rem3A_29 = arith.remsi %mul3A_28, %rem3A : i32
      %gt3A = arith.constant 0 : i32
      %gt3A_30 = arith.cmpi sgt, %scan3A_26, %gt3A : i32
      %convert_element_type3A = arith.extui %gt3A_30 : i1 to i32
      %cond3A = arith.constant 0 : i32
      %cond3A_31 = arith.cmpi ne, %convert_element_type3A, %cond3A : i32
      scf.if %cond3A_31 {
        %dma_wait3A_75 = arith.constant 0 : i32
        %dma_wait3A_76 = tpu.memref_slice %arg7[%rem3A_29, %dma_wait3A_75] : memref<40x128xi32, #tpu.memory_space<vmem>> -> memref<1x128xi32, #tpu.memory_space<vmem>>
        %dma_wait3A_77 = tpu.memref_squeeze %dma_wait3A_76 : memref<1x128xi32, #tpu.memory_space<vmem>> -> memref<128xi32, #tpu.memory_space<vmem>>
        %dma_wait3A_78 = arith.constant 0 : i32
        %dma_wait3A_79 = arith.constant 0 : i32
        %dma_wait3A_80 = tpu.memref_slice %arg10[%dma_wait3A_78, %dma_wait3A_79] : memref<10240x128xf32, #tpu.memory_space<vmem_shared>> -> memref<10240x128xf32, #tpu.memory_space<vmem_shared>>
        tpu.wait_indirect_dma semaphore(%arg13 : memref<!tpu.dma_semaphore, #tpu.memory_space<semaphore_mem>>) src(%arg8 : memref<128x128xf32, #tpu.memory_space<vmem>>) dst(%dma_wait3A_80 : memref<10240x128xf32, #tpu.memory_space<vmem_shared>>)
        %dma_wait3A_81 = arith.constant 0 : i32
        %dma_wait3A_82 = tpu.memref_slice %arg7[%rem3A_29, %dma_wait3A_81] : memref<40x128xi32, #tpu.memory_space<vmem>> -> memref<1x128xi32, #tpu.memory_space<vmem>>
        %dma_wait3A_83 = tpu.memref_squeeze %dma_wait3A_82 : memref<1x128xi32, #tpu.memory_space<vmem>> -> memref<128xi32, #tpu.memory_space<vmem>>
        %dma_wait3A_84 = arith.constant 0 : i32
        %dma_wait3A_85 = arith.constant 0 : i32
        %dma_wait3A_86 = tpu.memref_slice %arg10[%dma_wait3A_84, %dma_wait3A_85] : memref<10240x128xf32, #tpu.memory_space<vmem_shared>> -> memref<10240x128xf32, #tpu.memory_space<vmem_shared>>
        tpu.wait_indirect_dma semaphore(%arg14 : memref<!tpu.dma_semaphore, #tpu.memory_space<semaphore_mem>>) src(%arg9 : memref<128x128xf32, #tpu.memory_space<vmem>>) dst(%dma_wait3A_86 : memref<10240x128xf32, #tpu.memory_space<vmem_shared>>)
      } else {
      }
      %eq3A = arith.constant 40 : i32
      %eq3A_32 = arith.cmpi eq, %mul3A_28, %eq3A : i32
      %convert_element_type3A_33 = arith.extui %eq3A_32 : i1 to i32
      %cond3A_34 = arith.constant 0 : i32
      %cond3A_35 = arith.cmpi ne, %convert_element_type3A_33, %cond3A_34 : i32
      scf.if %cond3A_35 {
        %add3A_75 = arith.constant 40 : i32
        %add3A_76 = arith.addi %add3A, %add3A_75 : i32
        "tpu.region"() ({
          %run_scoped3A = tpu.sem_alloc : memref<!tpu.dma_semaphore, #tpu.memory_space<semaphore_mem>>
          %dma_start3A_81 = arith.constant 0 : i32
          %dma_start3A_82 = tpu.memref_slice %arg3[%add3A_76, %dma_start3A_81] : memref<5120x128xi32, #tpu.memory_space<hbm>> -> memref<40x128xi32, #tpu.memory_space<hbm>>
          %dma_start3A_83 = arith.constant 0 : i32
          %dma_start3A_84 = tpu.memref_slice %arg3[%add3A_76, %dma_start3A_83] : memref<5120x128xi32, #tpu.memory_space<hbm>> -> memref<40x128xi32, #tpu.memory_space<hbm>>
          tpu.enqueue_dma source(%dma_start3A_84 : memref<40x128xi32, #tpu.memory_space<hbm>>) target(%arg6 : memref<40x128xi32, #tpu.memory_space<vmem>>) target_semaphore(%run_scoped3A : memref<!tpu.dma_semaphore, #tpu.memory_space<semaphore_mem>>)
          %dma_wait3A_85 = arith.constant 0 : i32
          %dma_wait3A_86 = tpu.memref_slice %arg3[%add3A_76, %dma_wait3A_85] : memref<5120x128xi32, #tpu.memory_space<hbm>> -> memref<40x128xi32, #tpu.memory_space<hbm>>
          %dma_wait3A_87 = arith.constant 0 : i32
          %dma_wait3A_88 = tpu.memref_slice %arg3[%add3A_76, %dma_wait3A_87] : memref<5120x128xi32, #tpu.memory_space<hbm>> -> memref<40x128xi32, #tpu.memory_space<hbm>>
          tpu.wait_dma2 semaphore(%run_scoped3A : memref<!tpu.dma_semaphore, #tpu.memory_space<semaphore_mem>>) src(%dma_wait3A_88 : memref<40x128xi32, #tpu.memory_space<hbm>>) dst(%arg6 : memref<40x128xi32, #tpu.memory_space<vmem>>)
          tpu.yield
        }) : () -> ()
        %add3A_77 = arith.constant 2560 : i32
        %add3A_78 = arith.addi %add3A_77, %add3A : i32
        %add3A_79 = arith.constant 40 : i32
        %add3A_80 = arith.addi %add3A_78, %add3A_79 : i32
        "tpu.region"() ({
          %run_scoped3A = tpu.sem_alloc : memref<!tpu.dma_semaphore, #tpu.memory_space<semaphore_mem>>
          %dma_start3A_81 = arith.constant 0 : i32
          %dma_start3A_82 = tpu.memref_slice %arg3[%add3A_80, %dma_start3A_81] : memref<5120x128xi32, #tpu.memory_space<hbm>> -> memref<40x128xi32, #tpu.memory_space<hbm>>
          %dma_start3A_83 = arith.constant 0 : i32
          %dma_start3A_84 = tpu.memref_slice %arg3[%add3A_80, %dma_start3A_83] : memref<5120x128xi32, #tpu.memory_space<hbm>> -> memref<40x128xi32, #tpu.memory_space<hbm>>
          tpu.enqueue_dma source(%dma_start3A_84 : memref<40x128xi32, #tpu.memory_space<hbm>>) target(%arg7 : memref<40x128xi32, #tpu.memory_space<vmem>>) target_semaphore(%run_scoped3A : memref<!tpu.dma_semaphore, #tpu.memory_space<semaphore_mem>>)
          %dma_wait3A_85 = arith.constant 0 : i32
          %dma_wait3A_86 = tpu.memref_slice %arg3[%add3A_80, %dma_wait3A_85] : memref<5120x128xi32, #tpu.memory_space<hbm>> -> memref<40x128xi32, #tpu.memory_space<hbm>>
          %dma_wait3A_87 = arith.constant 0 : i32
          %dma_wait3A_88 = tpu.memref_slice %arg3[%add3A_80, %dma_wait3A_87] : memref<5120x128xi32, #tpu.memory_space<hbm>> -> memref<40x128xi32, #tpu.memory_space<hbm>>
          tpu.wait_dma2 semaphore(%run_scoped3A : memref<!tpu.dma_semaphore, #tpu.memory_space<semaphore_mem>>) src(%dma_wait3A_88 : memref<40x128xi32, #tpu.memory_space<hbm>>) dst(%arg7 : memref<40x128xi32, #tpu.memory_space<vmem>>)
          tpu.yield
        }) : () -> ()
      } else {
      }
      %dma_start3A = arith.constant 0 : i32
      %dma_start3A_36 = tpu.memref_slice %arg6[%rem3A_29, %dma_start3A] : memref<40x128xi32, #tpu.memory_space<vmem>> -> memref<1x128xi32, #tpu.memory_space<vmem>>
      %dma_start3A_37 = tpu.memref_squeeze %dma_start3A_36 : memref<1x128xi32, #tpu.memory_space<vmem>> -> memref<128xi32, #tpu.memory_space<vmem>>
      %dma_start3A_38 = arith.constant 0 : i32
      %dma_start3A_39 = arith.constant 0 : i32
      %dma_start3A_40 = tpu.memref_slice %arg2[%dma_start3A_38, %dma_start3A_39] : memref<10240x128xf32, #tpu.memory_space<hbm>> -> memref<10240x128xf32, #tpu.memory_space<hbm>>
      tpu.enqueue_indirect_dma source(%dma_start3A_40 : memref<10240x128xf32, #tpu.memory_space<hbm>>) target(%arg8 : memref<128x128xf32, #tpu.memory_space<vmem>>) offsets(%dma_start3A_37 : memref<128xi32, #tpu.memory_space<vmem>>) semaphore(%arg11 : memref<!tpu.dma_semaphore, #tpu.memory_space<semaphore_mem>>)
      %add3A_41 = arith.constant 1 : i32
      %add3A_42 = arith.addi %rem3A_29, %add3A_41 : i32
      %dma_start3A_43 = arith.constant 0 : i32
      %dma_start3A_44 = tpu.memref_slice %arg6[%add3A_42, %dma_start3A_43] : memref<40x128xi32, #tpu.memory_space<vmem>> -> memref<1x128xi32, #tpu.memory_space<vmem>>
      %dma_start3A_45 = tpu.memref_squeeze %dma_start3A_44 : memref<1x128xi32, #tpu.memory_space<vmem>> -> memref<128xi32, #tpu.memory_space<vmem>>
      %dma_start3A_46 = arith.constant 0 : i32
      %dma_start3A_47 = arith.constant 0 : i32
      %dma_start3A_48 = tpu.memref_slice %arg2[%dma_start3A_46, %dma_start3A_47] : memref<10240x128xf32, #tpu.memory_space<hbm>> -> memref<10240x128xf32, #tpu.memory_space<hbm>>
      tpu.enqueue_indirect_dma source(%dma_start3A_48 : memref<10240x128xf32, #tpu.memory_space<hbm>>) target(%arg9 : memref<128x128xf32, #tpu.memory_space<vmem>>) offsets(%dma_start3A_45 : memref<128xi32, #tpu.memory_space<vmem>>) semaphore(%arg12 : memref<!tpu.dma_semaphore, #tpu.memory_space<semaphore_mem>>)
      %dma_wait3A_49 = arith.constant 0 : i32
      %dma_wait3A_50 = tpu.memref_slice %arg6[%rem3A_29, %dma_wait3A_49] : memref<40x128xi32, #tpu.memory_space<vmem>> -> memref<1x128xi32, #tpu.memory_space<vmem>>
      %dma_wait3A_51 = tpu.memref_squeeze %dma_wait3A_50 : memref<1x128xi32, #tpu.memory_space<vmem>> -> memref<128xi32, #tpu.memory_space<vmem>>
      %dma_wait3A_52 = arith.constant 0 : i32
      %dma_wait3A_53 = arith.constant 0 : i32
      %dma_wait3A_54 = tpu.memref_slice %arg2[%dma_wait3A_52, %dma_wait3A_53] : memref<10240x128xf32, #tpu.memory_space<hbm>> -> memref<10240x128xf32, #tpu.memory_space<hbm>>
      tpu.wait_indirect_dma semaphore(%arg11 : memref<!tpu.dma_semaphore, #tpu.memory_space<semaphore_mem>>) src(%dma_wait3A_54 : memref<10240x128xf32, #tpu.memory_space<hbm>>) dst(%arg8 : memref<128x128xf32, #tpu.memory_space<vmem>>)
      %dma_start3A_55 = arith.constant 0 : i32
      %dma_start3A_56 = tpu.memref_slice %arg7[%rem3A_29, %dma_start3A_55] : memref<40x128xi32, #tpu.memory_space<vmem>> -> memref<1x128xi32, #tpu.memory_space<vmem>>
      %dma_start3A_57 = tpu.memref_squeeze %dma_start3A_56 : memref<1x128xi32, #tpu.memory_space<vmem>> -> memref<128xi32, #tpu.memory_space<vmem>>
      %dma_start3A_58 = arith.constant 0 : i32
      %dma_start3A_59 = arith.constant 0 : i32
      %dma_start3A_60 = tpu.memref_slice %arg10[%dma_start3A_58, %dma_start3A_59] : memref<10240x128xf32, #tpu.memory_space<vmem_shared>> -> memref<10240x128xf32, #tpu.memory_space<vmem_shared>>
      tpu.enqueue_indirect_dma source(%arg8 : memref<128x128xf32, #tpu.memory_space<vmem>>) target(%dma_start3A_60 : memref<10240x128xf32, #tpu.memory_space<vmem_shared>>) offsets(%dma_start3A_57 : memref<128xi32, #tpu.memory_space<vmem>>) semaphore(%arg13 : memref<!tpu.dma_semaphore, #tpu.memory_space<semaphore_mem>>) {add = true}
      %dma_wait3A_61 = arith.constant 0 : i32
      %dma_wait3A_62 = tpu.memref_slice %arg6[%add3A_42, %dma_wait3A_61] : memref<40x128xi32, #tpu.memory_space<vmem>> -> memref<1x128xi32, #tpu.memory_space<vmem>>
      %dma_wait3A_63 = tpu.memref_squeeze %dma_wait3A_62 : memref<1x128xi32, #tpu.memory_space<vmem>> -> memref<128xi32, #tpu.memory_space<vmem>>
      %dma_wait3A_64 = arith.constant 0 : i32
      %dma_wait3A_65 = arith.constant 0 : i32
      %dma_wait3A_66 = tpu.memref_slice %arg2[%dma_wait3A_64, %dma_wait3A_65] : memref<10240x128xf32, #tpu.memory_space<hbm>> -> memref<10240x128xf32, #tpu.memory_space<hbm>>
      tpu.wait_indirect_dma semaphore(%arg12 : memref<!tpu.dma_semaphore, #tpu.memory_space<semaphore_mem>>) src(%dma_wait3A_66 : memref<10240x128xf32, #tpu.memory_space<hbm>>) dst(%arg9 : memref<128x128xf32, #tpu.memory_space<vmem>>)
      %add3A_67 = arith.constant 1 : i32
      %add3A_68 = arith.addi %rem3A_29, %add3A_67 : i32
      %dma_start3A_69 = arith.constant 0 : i32
      %dma_start3A_70 = tpu.memref_slice %arg7[%add3A_68, %dma_start3A_69] : memref<40x128xi32, #tpu.memory_space<vmem>> -> memref<1x128xi32, #tpu.memory_space<vmem>>
      %dma_start3A_71 = tpu.memref_squeeze %dma_start3A_70 : memref<1x128xi32, #tpu.memory_space<vmem>> -> memref<128xi32, #tpu.memory_space<vmem>>
      %dma_start3A_72 = arith.constant 0 : i32
      %dma_start3A_73 = arith.constant 0 : i32
      %dma_start3A_74 = tpu.memref_slice %arg10[%dma_start3A_72, %dma_start3A_73] : memref<10240x128xf32, #tpu.memory_space<vmem_shared>> -> memref<10240x128xf32, #tpu.memory_space<vmem_shared>>
      tpu.enqueue_indirect_dma source(%arg9 : memref<128x128xf32, #tpu.memory_space<vmem>>) target(%dma_start3A_74 : memref<10240x128xf32, #tpu.memory_space<vmem_shared>>) offsets(%dma_start3A_71 : memref<128xi32, #tpu.memory_space<vmem>>) semaphore(%arg14 : memref<!tpu.dma_semaphore, #tpu.memory_space<semaphore_mem>>) {add = true}
    }
    %scan3A_11 = arith.constant 40 : i32
    %dma_wait3A = arith.constant 38 : i32
    %dma_wait3A_12 = arith.constant 0 : i32
    %dma_wait3A_13 = tpu.memref_slice %arg7[%dma_wait3A, %dma_wait3A_12] : memref<40x128xi32, #tpu.memory_space<vmem>> -> memref<1x128xi32, #tpu.memory_space<vmem>>
    %dma_wait3A_14 = tpu.memref_squeeze %dma_wait3A_13 : memref<1x128xi32, #tpu.memory_space<vmem>> -> memref<128xi32, #tpu.memory_space<vmem>>
    %dma_wait3A_15 = arith.constant 0 : i32
    %dma_wait3A_16 = arith.constant 0 : i32
    %dma_wait3A_17 = tpu.memref_slice %arg10[%dma_wait3A_15, %dma_wait3A_16] : memref<10240x128xf32, #tpu.memory_space<vmem_shared>> -> memref<10240x128xf32, #tpu.memory_space<vmem_shared>>
    tpu.wait_indirect_dma semaphore(%arg13 : memref<!tpu.dma_semaphore, #tpu.memory_space<semaphore_mem>>) src(%arg8 : memref<128x128xf32, #tpu.memory_space<vmem>>) dst(%dma_wait3A_17 : memref<10240x128xf32, #tpu.memory_space<vmem_shared>>)
    %dma_wait3A_18 = arith.constant 39 : i32
    %dma_wait3A_19 = arith.constant 0 : i32
    %dma_wait3A_20 = tpu.memref_slice %arg7[%dma_wait3A_18, %dma_wait3A_19] : memref<40x128xi32, #tpu.memory_space<vmem>> -> memref<1x128xi32, #tpu.memory_space<vmem>>
    %dma_wait3A_21 = tpu.memref_squeeze %dma_wait3A_20 : memref<1x128xi32, #tpu.memory_space<vmem>> -> memref<128xi32, #tpu.memory_space<vmem>>
    %dma_wait3A_22 = arith.constant 0 : i32
    %dma_wait3A_23 = arith.constant 0 : i32
    %dma_wait3A_24 = tpu.memref_slice %arg10[%dma_wait3A_22, %dma_wait3A_23] : memref<10240x128xf32, #tpu.memory_space<vmem_shared>> -> memref<10240x128xf32, #tpu.memory_space<vmem_shared>>
    tpu.wait_indirect_dma semaphore(%arg14 : memref<!tpu.dma_semaphore, #tpu.memory_space<semaphore_mem>>) src(%arg9 : memref<128x128xf32, #tpu.memory_space<vmem>>) dst(%dma_wait3A_24 : memref<10240x128xf32, #tpu.memory_space<vmem_shared>>)
    %barrier3A_25 = arith.constant 0 : index
    tpu.barrier barrier_id(%barrier3A_25)
    "tpu.region"() ({
      %run_scoped3A = tpu.sem_alloc : memref<!tpu.dma_semaphore, #tpu.memory_space<semaphore_mem>>
      %dma_start3A = arith.constant 0 : i32
      %dma_start3A_26 = tpu.memref_slice %arg5[%arg0, %mul3A_0, %dma_start3A] : memref<2x10240x128xf32, #tpu.memory_space<hbm>> -> memref<1x640x128xf32, #tpu.memory_space<hbm>>
      %dma_start3A_27 = tpu.memref_squeeze %dma_start3A_26 : memref<1x640x128xf32, #tpu.memory_space<hbm>> -> memref<640x128xf32, #tpu.memory_space<hbm>>
      %dma_start3A_28 = arith.constant 0 : i32
      %dma_start3A_29 = tpu.memref_slice %arg10[%mul3A_0, %dma_start3A_28] : memref<10240x128xf32, #tpu.memory_space<vmem_shared>> -> memref<640x128xf32, #tpu.memory_space<vmem_shared>>
      tpu.enqueue_dma source(%dma_start3A_29 : memref<640x128xf32, #tpu.memory_space<vmem_shared>>) target(%dma_start3A_27 : memref<640x128xf32, #tpu.memory_space<hbm>>) target_semaphore(%run_scoped3A : memref<!tpu.dma_semaphore, #tpu.memory_space<semaphore_mem>>)
      %dma_wait3A_30 = arith.constant 0 : i32
      %dma_wait3A_31 = tpu.memref_slice %arg5[%arg0, %mul3A_0, %dma_wait3A_30] : memref<2x10240x128xf32, #tpu.memory_space<hbm>> -> memref<1x640x128xf32, #tpu.memory_space<hbm>>
      %dma_wait3A_32 = tpu.memref_squeeze %dma_wait3A_31 : memref<1x640x128xf32, #tpu.memory_space<hbm>> -> memref<640x128xf32, #tpu.memory_space<hbm>>
      %dma_wait3A_33 = arith.constant 0 : i32
      %dma_wait3A_34 = tpu.memref_slice %arg10[%mul3A_0, %dma_wait3A_33] : memref<10240x128xf32, #tpu.memory_space<vmem_shared>> -> memref<640x128xf32, #tpu.memory_space<vmem_shared>>
      tpu.wait_dma2 semaphore(%run_scoped3A : memref<!tpu.dma_semaphore, #tpu.memory_space<semaphore_mem>>) src(%dma_wait3A_34 : memref<640x128xf32, #tpu.memory_space<vmem_shared>>) dst(%dma_wait3A_32 : memref<640x128xf32, #tpu.memory_space<hbm>>)
      tpu.yield
    }) : () -> ()
    return
  }
}

module attributes {stable_mosaic.version = 14 : i64} {
  func.func @body(%arg0: i32, %arg1: memref<2560x128xf32, #tpu.memory_space<vmem>>, %arg2: memref<128x128xf32, #tpu.memory_space<vmem>>, %arg3: memref<1x2560x128xf32, #tpu.memory_space<vmem>>, %arg4: memref<2560x128xf32, #tpu.memory_space<vmem>>) attributes {dimension_semantics = [#tpu.dimension_semantics<arbitrary>], iteration_bounds = array<i64: 4>, scalar_prefetch = 0 : i64, scratch_operands = 0 : i64, tpu.core_type = #tpu.core_type<tc>, window_params = [{transform_indices = @transform_0, window_bounds = array<i64: 2560, 128>}, {pipeline_mode = #tpu.pipeline_mode<synchronous>, transform_indices = @transform_1, window_bounds = array<i64: 128, 128>}, {transform_indices = @transform_2, window_bounds = array<i64: 1, 2560, 128>}, {transform_indices = @transform_3, window_bounds = array<i64: 2560, 128>}]} {
    %get3A = arith.constant 0 : index
    %get3A_0 = arith.constant 0 : index
    %get3A_1 = arith.constant 0 : index
    %get3A_2 = vector.load %arg3[%get3A, %get3A_0, %get3A_1] : memref<1x2560x128xf32, #tpu.memory_space<vmem>>, vector<1x2560x128xf32>
    %get3A_3 = vector.shape_cast %get3A_2 : vector<1x2560x128xf32> to vector<2560x128xf32>
    %slice3A = vector.extract_strided_slice %get3A_3 {offsets = [0, 0], sizes = [2560, 1], strides = [1, 1]} : vector<2560x128xf32> to vector<2560x1xf32>
    %max3A = arith.constant 1.000000e+00 : f32
    %max3A_4 = vector.broadcast %max3A : f32 to vector<2560x1xf32>
    %max3A_5 = arith.maximumf %slice3A, %max3A_4 : vector<2560x1xf32>
    %rsqrt3A = math.rsqrt %max3A_5 : vector<2560x1xf32>
    %get3A_6 = arith.constant 0 : index
    %get3A_7 = arith.constant 0 : index
    %get3A_8 = vector.load %arg1[%get3A_6, %get3A_7] : memref<2560x128xf32, #tpu.memory_space<vmem>>, vector<2560x128xf32>
    %get3A_9 = arith.constant 0 : index
    %get3A_10 = arith.constant 0 : index
    %get3A_11 = vector.load %arg2[%get3A_9, %get3A_10] : memref<128x128xf32, #tpu.memory_space<vmem>>, vector<128x128xf32>
    %dot_general3A = arith.constant dense<0.000000e+00> : vector<2560x128xf32>
    %dot_general3A_12 = tpu.matmul %get3A_8, %get3A_11, %dot_general3A {dimension_numbers = #tpu.dot_dimension_numbers<[1], [0], [0], [1], [0, 0, 1, 1], [], []>, transpose_lhs_hint = false} : vector<2560x128xf32>, vector<128x128xf32>, vector<2560x128xf32> -> vector<2560x128xf32>
    %mul3A = vector.broadcast %rsqrt3A : vector<2560x1xf32> to vector<2560x128xf32>
    %mul3A_13 = arith.mulf %dot_general3A_12, %mul3A : vector<2560x128xf32>
    %swap3A = arith.constant 0 : index
    %swap3A_14 = arith.constant 0 : index
    %swap3A_15 = vector.load %arg4[%swap3A, %swap3A_14] : memref<2560x128xf32, #tpu.memory_space<vmem>>, vector<2560x128xf32>
    tpu.vector_store %arg4[%swap3A, %swap3A_14], %mul3A_13 {strides = array<i32>} : memref<2560x128xf32, #tpu.memory_space<vmem>>, vector<2560x128xf32>,
    return
  }
  func.func @transform_0(%arg0: i32) -> (i32, i32) {
    %c0_i32 = arith.constant 0 : i32
    %c0_i32_0 = arith.constant 0 : i32
    return %arg0, %c0_i32 : i32, i32
  }
  func.func @transform_1(%arg0: i32) -> (i32, i32) {
    %c0_i32 = arith.constant 0 : i32
    %c0_i32_0 = arith.constant 0 : i32
    %c0_i32_1 = arith.constant 0 : i32
    return %c0_i32, %c0_i32_0 : i32, i32
  }
  func.func @transform_2(%arg0: i32) -> (i32, i32, i32) {
    %c0_i32 = arith.constant 0 : i32
    %c0_i32_0 = arith.constant 0 : i32
    %c0_i32_1 = arith.constant 0 : i32
    return %c0_i32, %arg0, %c0_i32_0 : i32, i32, i32
  }
  func.func @transform_3(%arg0: i32) -> (i32, i32) {
    %c0_i32 = arith.constant 0 : i32
    %c0_i32_0 = arith.constant 0 : i32
    return %arg0, %c0_i32 : i32, i32
  }
}

module attributes {stable_mosaic.version = 14 : i64} {
  func.func @body(%arg0: i32, %arg1: memref<2x2560x128xf32, #tpu.memory_space<vmem>>, %arg2: memref<2x2560x128xf32, #tpu.memory_space<vmem>>, %arg3: memref<128x128xf32, #tpu.memory_space<vmem>>, %arg4: memref<1x128xf32, #tpu.memory_space<vmem>>, %arg5: memref<2560x128xf32, #tpu.memory_space<vmem>>) attributes {dimension_semantics = [#tpu.dimension_semantics<arbitrary>], iteration_bounds = array<i64: 4>, scalar_prefetch = 0 : i64, scratch_operands = 0 : i64, tpu.core_type = #tpu.core_type<tc>, window_params = [{transform_indices = @transform_0, window_bounds = array<i64: 2, 2560, 128>}, {transform_indices = @transform_1, window_bounds = array<i64: 2, 2560, 128>}, {pipeline_mode = #tpu.pipeline_mode<synchronous>, transform_indices = @transform_2, window_bounds = array<i64: 128, 128>}, {pipeline_mode = #tpu.pipeline_mode<synchronous>, transform_indices = @transform_3, window_bounds = array<i64: 1, 128>}, {transform_indices = @transform_4, window_bounds = array<i64: 2560, 128>}]} {
    %get3A = arith.constant 0 : index
    %get3A_0 = arith.constant 0 : index
    %get3A_1 = arith.constant 0 : index
    %get3A_2 = vector.load %arg1[%get3A, %get3A_0, %get3A_1] : memref<2x2560x128xf32, #tpu.memory_space<vmem>>, vector<1x2560x128xf32>
    %get3A_3 = vector.shape_cast %get3A_2 : vector<1x2560x128xf32> to vector<2560x128xf32>
    %get3A_4 = arith.constant 1 : index
    %get3A_5 = arith.constant 0 : index
    %get3A_6 = arith.constant 0 : index
    %get3A_7 = vector.load %arg1[%get3A_4, %get3A_5, %get3A_6] : memref<2x2560x128xf32, #tpu.memory_space<vmem>>, vector<1x2560x128xf32>
    %get3A_8 = vector.shape_cast %get3A_7 : vector<1x2560x128xf32> to vector<2560x128xf32>
    %add3A = arith.addf %get3A_3, %get3A_8 : vector<2560x128xf32>
    %get3A_9 = arith.constant 0 : index
    %get3A_10 = arith.constant 0 : index
    %get3A_11 = arith.constant 0 : index
    %get3A_12 = vector.load %arg2[%get3A_9, %get3A_10, %get3A_11] : memref<2x2560x128xf32, #tpu.memory_space<vmem>>, vector<1x2560x128xf32>
    %get3A_13 = vector.shape_cast %get3A_12 : vector<1x2560x128xf32> to vector<2560x128xf32>
    %slice3A = vector.extract_strided_slice %get3A_13 {offsets = [0, 0], sizes = [2560, 1], strides = [1, 1]} : vector<2560x128xf32> to vector<2560x1xf32>
    %get3A_14 = arith.constant 1 : index
    %get3A_15 = arith.constant 0 : index
    %get3A_16 = arith.constant 0 : index
    %get3A_17 = vector.load %arg2[%get3A_14, %get3A_15, %get3A_16] : memref<2x2560x128xf32, #tpu.memory_space<vmem>>, vector<1x2560x128xf32>
    %get3A_18 = vector.shape_cast %get3A_17 : vector<1x2560x128xf32> to vector<2560x128xf32>
    %slice3A_19 = vector.extract_strided_slice %get3A_18 {offsets = [0, 0], sizes = [2560, 1], strides = [1, 1]} : vector<2560x128xf32> to vector<2560x1xf32>
    %max3A = arith.constant 1.000000e+00 : f32
    %max3A_20 = vector.broadcast %max3A : f32 to vector<2560x1xf32>
    %max3A_21 = arith.maximumf %slice3A_19, %max3A_20 : vector<2560x1xf32>
    %rsqrt3A = math.rsqrt %max3A_21 : vector<2560x1xf32>
    %max3A_22 = arith.constant 1.000000e+00 : f32
    %max3A_23 = vector.broadcast %max3A_22 : f32 to vector<2560x1xf32>
    %max3A_24 = arith.maximumf %slice3A, %max3A_23 : vector<2560x1xf32>
    %rsqrt3A_25 = math.rsqrt %max3A_24 : vector<2560x1xf32>
    %mul3A = vector.broadcast %rsqrt3A : vector<2560x1xf32> to vector<2560x128xf32>
    %mul3A_26 = arith.mulf %add3A, %mul3A : vector<2560x128xf32>
    %get3A_27 = arith.constant 0 : index
    %get3A_28 = arith.constant 0 : index
    %get3A_29 = vector.load %arg4[%get3A_27, %get3A_28] : memref<1x128xf32, #tpu.memory_space<vmem>>, vector<1x128xf32>
    %add3A_30 = vector.broadcast %get3A_29 : vector<1x128xf32> to vector<2560x128xf32>
    %add3A_31 = arith.addf %mul3A_26, %add3A_30 : vector<2560x128xf32>
    %max3A_32 = arith.constant 0.000000e+00 : f32
    %max3A_33 = vector.broadcast %max3A_32 : f32 to vector<2560x128xf32>
    %max3A_34 = arith.maximumf %add3A_31, %max3A_33 : vector<2560x128xf32>
    %get3A_35 = arith.constant 0 : index
    %get3A_36 = arith.constant 0 : index
    %get3A_37 = vector.load %arg3[%get3A_35, %get3A_36] : memref<128x128xf32, #tpu.memory_space<vmem>>, vector<128x128xf32>
    %dot_general3A = arith.constant dense<0.000000e+00> : vector<2560x128xf32>
    %dot_general3A_38 = tpu.matmul %max3A_34, %get3A_37, %dot_general3A {dimension_numbers = #tpu.dot_dimension_numbers<[1], [0], [0], [1], [0, 0, 1, 1], [], []>, transpose_lhs_hint = false} : vector<2560x128xf32>, vector<128x128xf32>, vector<2560x128xf32> -> vector<2560x128xf32>
    %mul3A_39 = vector.broadcast %rsqrt3A_25 : vector<2560x1xf32> to vector<2560x128xf32>
    %mul3A_40 = arith.mulf %dot_general3A_38, %mul3A_39 : vector<2560x128xf32>
    %swap3A = arith.constant 0 : index
    %swap3A_41 = arith.constant 0 : index
    %swap3A_42 = vector.load %arg5[%swap3A, %swap3A_41] : memref<2560x128xf32, #tpu.memory_space<vmem>>, vector<2560x128xf32>
    tpu.vector_store %arg5[%swap3A, %swap3A_41], %mul3A_40 {strides = array<i32>} : memref<2560x128xf32, #tpu.memory_space<vmem>>, vector<2560x128xf32>,
    return
  }
  func.func @transform_0(%arg0: i32) -> (i32, i32, i32) {
    %c0_i32 = arith.constant 0 : i32
    %c0_i32_0 = arith.constant 0 : i32
    %c0_i32_1 = arith.constant 0 : i32
    return %c0_i32, %arg0, %c0_i32_0 : i32, i32, i32
  }
  func.func @transform_1(%arg0: i32) -> (i32, i32, i32) {
    %c0_i32 = arith.constant 0 : i32
    %c0_i32_0 = arith.constant 0 : i32
    %c0_i32_1 = arith.constant 0 : i32
    return %c0_i32, %arg0, %c0_i32_0 : i32, i32, i32
  }
  func.func @transform_2(%arg0: i32) -> (i32, i32) {
    %c0_i32 = arith.constant 0 : i32
    %c0_i32_0 = arith.constant 0 : i32
    %c0_i32_1 = arith.constant 0 : i32
    return %c0_i32, %c0_i32_0 : i32, i32
  }
  func.func @transform_3(%arg0: i32) -> (i32, i32) {
    %c0_i32 = arith.constant 0 : i32
    %c0_i32_0 = arith.constant 0 : i32
    %c0_i32_1 = arith.constant 0 : i32
    return %c0_i32, %c0_i32_0 : i32, i32
  }
  func.func @transform_4(%arg0: i32) -> (i32, i32) {
    %c0_i32 = arith.constant 0 : i32
    %c0_i32_0 = arith.constant 0 : i32
    return %arg0, %c0_i32 : i32, i32
  }
}

module attributes {stable_mosaic.version = 14 : i64} {
  func.func @body(%arg0: i32, %arg1: memref<2x2048x128xf32, #tpu.memory_space<vmem>>, %arg2: memref<1x2048x128xf32, #tpu.memory_space<vmem>>, %arg3: memref<1x128xf32, #tpu.memory_space<vmem>>, %arg4: memref<1x1x2048xi32, #tpu.memory_space<vmem>>, %arg5: memref<128x64xf32, #tpu.memory_space<vmem>>, %arg6: memref<1x64xf32, #tpu.memory_space<vmem>>, %arg7: memref<16x64xf32, #tpu.memory_space<vmem>>, %arg8: memref<16x128xf32, #tpu.memory_space<vmem>>, %arg9: memref<16x128xf32, #tpu.memory_space<vmem>>) attributes {dimension_semantics = [#tpu.dimension_semantics<arbitrary>], iteration_bounds = array<i64: 5>, scalar_prefetch = 0 : i64, scratch_operands = 2 : i64, tpu.core_type = #tpu.core_type<tc>, window_params = [{transform_indices = @transform_0, window_bounds = array<i64: 2, 2048, 128>}, {transform_indices = @transform_1, window_bounds = array<i64: 1, 2048, 128>}, {pipeline_mode = #tpu.pipeline_mode<synchronous>, transform_indices = @transform_2, window_bounds = array<i64: 1, 128>}, {transform_indices = @transform_3, window_bounds = array<i64: 1, 1, 2048>}, {pipeline_mode = #tpu.pipeline_mode<synchronous>, transform_indices = @transform_4, window_bounds = array<i64: 128, 64>}, {pipeline_mode = #tpu.pipeline_mode<synchronous>, transform_indices = @transform_5, window_bounds = array<i64: 1, 64>}, {pipeline_mode = #tpu.pipeline_mode<synchronous>, transform_indices = @transform_6, window_bounds = array<i64: 16, 64>}]} {
    %eq3A = arith.constant 0 : i32
    %eq3A_0 = arith.cmpi eq, %arg0, %eq3A : i32
    %convert_element_type3A = arith.extui %eq3A_0 : i1 to i32
    %cond3A = arith.constant 0 : i32
    %cond3A_1 = arith.cmpi ne, %convert_element_type3A, %cond3A : i32
    scf.if %cond3A_1 {
      %broadcast_in_dim3A_56 = arith.constant 0.000000e+00 : f32
      %broadcast_in_dim3A_57 = vector.broadcast %broadcast_in_dim3A_56 : f32 to vector<16x128xf32>
      %swap3A_58 = arith.constant 0 : index
      %swap3A_59 = arith.constant 0 : index
      %swap3A_60 = vector.load %arg8[%swap3A_58, %swap3A_59] : memref<16x128xf32, #tpu.memory_space<vmem>>, vector<16x128xf32>
      tpu.vector_store %arg8[%swap3A_58, %swap3A_59], %broadcast_in_dim3A_57 {strides = array<i32>} : memref<16x128xf32, #tpu.memory_space<vmem>>, vector<16x128xf32>,
      %broadcast_in_dim3A_61 = arith.constant 0.000000e+00 : f32
      %broadcast_in_dim3A_62 = vector.broadcast %broadcast_in_dim3A_61 : f32 to vector<16x128xf32>
      %swap3A_63 = arith.constant 0 : index
      %swap3A_64 = arith.constant 0 : index
      %swap3A_65 = vector.load %arg9[%swap3A_63, %swap3A_64] : memref<16x128xf32, #tpu.memory_space<vmem>>, vector<16x128xf32>
      tpu.vector_store %arg9[%swap3A_63, %swap3A_64], %broadcast_in_dim3A_62 {strides = array<i32>} : memref<16x128xf32, #tpu.memory_space<vmem>>, vector<16x128xf32>,
    } else {
    }
    %get3A = arith.constant 0 : index
    %get3A_2 = arith.constant 0 : index
    %get3A_3 = arith.constant 0 : index
    %get3A_4 = vector.load %arg1[%get3A, %get3A_2, %get3A_3] : memref<2x2048x128xf32, #tpu.memory_space<vmem>>, vector<1x2048x128xf32>
    %get3A_5 = vector.shape_cast %get3A_4 : vector<1x2048x128xf32> to vector<2048x128xf32>
    %get3A_6 = arith.constant 1 : index
    %get3A_7 = arith.constant 0 : index
    %get3A_8 = arith.constant 0 : index
    %get3A_9 = vector.load %arg1[%get3A_6, %get3A_7, %get3A_8] : memref<2x2048x128xf32, #tpu.memory_space<vmem>>, vector<1x2048x128xf32>
    %get3A_10 = vector.shape_cast %get3A_9 : vector<1x2048x128xf32> to vector<2048x128xf32>
    %add3A = arith.addf %get3A_5, %get3A_10 : vector<2048x128xf32>
    %get3A_11 = arith.constant 0 : index
    %get3A_12 = arith.constant 0 : index
    %get3A_13 = arith.constant 0 : index
    %get3A_14 = vector.load %arg2[%get3A_11, %get3A_12, %get3A_13] : memref<1x2048x128xf32, #tpu.memory_space<vmem>>, vector<1x2048x128xf32>
    %get3A_15 = vector.shape_cast %get3A_14 : vector<1x2048x128xf32> to vector<2048x128xf32>
    %slice3A = vector.extract_strided_slice %get3A_15 {offsets = [0, 0], sizes = [2048, 1], strides = [1, 1]} : vector<2048x128xf32> to vector<2048x1xf32>
    %max3A = arith.constant 1.000000e+00 : f32
    %max3A_16 = vector.broadcast %max3A : f32 to vector<2048x1xf32>
    %max3A_17 = arith.maximumf %slice3A, %max3A_16 : vector<2048x1xf32>
    %rsqrt3A = math.rsqrt %max3A_17 : vector<2048x1xf32>
    %mul3A = vector.broadcast %rsqrt3A : vector<2048x1xf32> to vector<2048x128xf32>
    %mul3A_18 = arith.mulf %add3A, %mul3A : vector<2048x128xf32>
    %get3A_19 = arith.constant 0 : index
    %get3A_20 = arith.constant 0 : index
    %get3A_21 = vector.load %arg3[%get3A_19, %get3A_20] : memref<1x128xf32, #tpu.memory_space<vmem>>, vector<1x128xf32>
    %add3A_22 = vector.broadcast %get3A_21 : vector<1x128xf32> to vector<2048x128xf32>
    %add3A_23 = arith.addf %mul3A_18, %add3A_22 : vector<2048x128xf32>
    %get3A_24 = arith.constant 0 : index
    %get3A_25 = arith.constant 0 : index
    %get3A_26 = arith.constant 0 : index
    %get3A_27 = vector.load %arg4[%get3A_24, %get3A_25, %get3A_26] : memref<1x1x2048xi32, #tpu.memory_space<vmem>>, vector<1x1x2048xi32>
    %get3A_28 = vector.shape_cast %get3A_27 : vector<1x1x2048xi32> to vector<2048xi32>
    %broadcast_in_dim3A = vector.shape_cast %get3A_28 : vector<2048xi32> to vector<2048x1xi32>
    %iota3A = tpu.iota {dimensions = array<i32: 1>} : vector<2048x16xi32>
    %eq3A_29 = vector.broadcast %broadcast_in_dim3A : vector<2048x1xi32> to vector<2048x16xi32>
    %eq3A_30 = arith.cmpi eq, %eq3A_29, %iota3A : vector<2048x16xi32>
    %convert_element_type3A_31 = arith.extui %eq3A_30 : vector<2048x16xi1> to vector<2048x16xi32>
    %convert_element_type3A_32 = arith.sitofp %convert_element_type3A_31 : vector<2048x16xi32> to vector<2048x16xf32>
    %get3A_33 = arith.constant 0 : index
    %get3A_34 = arith.constant 0 : index
    %get3A_35 = vector.load %arg8[%get3A_33, %get3A_34] : memref<16x128xf32, #tpu.memory_space<vmem>>, vector<16x128xf32>
    %dot_general3A = arith.constant dense<0.000000e+00> : vector<16x128xf32>
    %dot_general3A_36 = tpu.matmul %convert_element_type3A_32, %add3A_23, %dot_general3A {dimension_numbers = #tpu.dot_dimension_numbers<[0], [0], [1], [1], [0, 1, 1, 1], [], []>, transpose_lhs_hint = false} : vector<2048x16xf32>, vector<2048x128xf32>, vector<16x128xf32> -> vector<16x128xf32>
    %add3A_37 = arith.addf %get3A_35, %dot_general3A_36 : vector<16x128xf32>
    %swap3A = arith.constant 0 : index
    %swap3A_38 = arith.constant 0 : index
    %swap3A_39 = vector.load %arg8[%swap3A, %swap3A_38] : memref<16x128xf32, #tpu.memory_space<vmem>>, vector<16x128xf32>
    tpu.vector_store %arg8[%swap3A, %swap3A_38], %add3A_37 {strides = array<i32>} : memref<16x128xf32, #tpu.memory_space<vmem>>, vector<16x128xf32>,
    %get3A_40 = arith.constant 0 : index
    %get3A_41 = arith.constant 0 : index
    %get3A_42 = vector.load %arg9[%get3A_40, %get3A_41] : memref<16x128xf32, #tpu.memory_space<vmem>>, vector<16x128xf32>
    %reduce_sum3A = arith.constant dense<0.000000e+00> : vector<16xf32>
    %reduce_sum3A_43 = vector.multi_reduction <add>, %convert_element_type3A_32, %reduce_sum3A [0] : vector<2048x16xf32> to vector<16xf32>
    %broadcast_in_dim3A_44 = vector.shape_cast %reduce_sum3A_43 : vector<16xf32> to vector<16x1xf32>
    %broadcast_in_dim3A_45 = vector.shape_cast %broadcast_in_dim3A_44 : vector<16x1xf32> to vector<16x1xf32>
    %broadcast_in_dim3A_46 = vector.broadcast %broadcast_in_dim3A_45 : vector<16x1xf32> to vector<16x128xf32>
    %add3A_47 = arith.addf %get3A_42, %broadcast_in_dim3A_46 : vector<16x128xf32>
    %swap3A_48 = arith.constant 0 : index
    %swap3A_49 = arith.constant 0 : index
    %swap3A_50 = vector.load %arg9[%swap3A_48, %swap3A_49] : memref<16x128xf32, #tpu.memory_space<vmem>>, vector<16x128xf32>
    tpu.vector_store %arg9[%swap3A_48, %swap3A_49], %add3A_47 {strides = array<i32>} : memref<16x128xf32, #tpu.memory_space<vmem>>, vector<16x128xf32>,
    %eq3A_51 = arith.constant 4 : i32
    %eq3A_52 = arith.cmpi eq, %arg0, %eq3A_51 : i32
    %convert_element_type3A_53 = arith.extui %eq3A_52 : i1 to i32
    %cond3A_54 = arith.constant 0 : i32
    %cond3A_55 = arith.cmpi ne, %convert_element_type3A_53, %cond3A_54 : i32
    scf.if %cond3A_55 {
      %get3A_56 = arith.constant 0 : index
      %get3A_57 = arith.constant 0 : index
      %get3A_58 = vector.load %arg8[%get3A_56, %get3A_57] : memref<16x128xf32, #tpu.memory_space<vmem>>, vector<16x128xf32>
      %get3A_59 = arith.constant 0 : index
      %get3A_60 = arith.constant 0 : index
      %get3A_61 = vector.load %arg9[%get3A_59, %get3A_60] : memref<16x128xf32, #tpu.memory_space<vmem>>, vector<16x128xf32>
      %max3A_62 = arith.constant 1.000000e+00 : f32
      %max3A_63 = vector.broadcast %max3A_62 : f32 to vector<16x128xf32>
      %max3A_64 = arith.maximumf %get3A_61, %max3A_63 : vector<16x128xf32>
      %div3A = arith.divf %get3A_58, %max3A_64 : vector<16x128xf32>
      %get3A_65 = arith.constant 0 : index
      %get3A_66 = arith.constant 0 : index
      %get3A_67 = vector.load %arg5[%get3A_65, %get3A_66] : memref<128x64xf32, #tpu.memory_space<vmem>>, vector<128x64xf32>
      %dot_general3A_68 = arith.constant dense<0.000000e+00> : vector<16x64xf32>
      %dot_general3A_69 = tpu.matmul %div3A, %get3A_67, %dot_general3A_68 {dimension_numbers = #tpu.dot_dimension_numbers<[1], [0], [0], [1], [0, 0, 1, 1], [], []>, transpose_lhs_hint = false} : vector<16x128xf32>, vector<128x64xf32>, vector<16x64xf32> -> vector<16x64xf32>
      %get3A_70 = arith.constant 0 : index
      %get3A_71 = arith.constant 0 : index
      %get3A_72 = vector.load %arg6[%get3A_70, %get3A_71] : memref<1x64xf32, #tpu.memory_space<vmem>>, vector<1x64xf32>
      %add3A_73 = vector.broadcast %get3A_72 : vector<1x64xf32> to vector<16x64xf32>
      %add3A_74 = arith.addf %dot_general3A_69, %add3A_73 : vector<16x64xf32>
      %swap3A_75 = arith.constant 0 : index
      %swap3A_76 = arith.constant 0 : index
      %swap3A_77 = vector.load %arg7[%swap3A_75, %swap3A_76] : memref<16x64xf32, #tpu.memory_space<vmem>>, vector<16x64xf32>
      tpu.vector_store %arg7[%swap3A_75, %swap3A_76], %add3A_74 {strides = array<i32>} : memref<16x64xf32, #tpu.memory_space<vmem>>, vector<16x64xf32>,
    } else {
    }
    return
  }
  func.func @transform_0(%arg0: i32) -> (i32, i32, i32) {
    %c0_i32 = arith.constant 0 : i32
    %c0_i32_0 = arith.constant 0 : i32
    %c0_i32_1 = arith.constant 0 : i32
    return %c0_i32, %arg0, %c0_i32_0 : i32, i32, i32
  }
  func.func @transform_1(%arg0: i32) -> (i32, i32, i32) {
    %c1_i32 = arith.constant 1 : i32
    %c0_i32 = arith.constant 0 : i32
    %c0_i32_0 = arith.constant 0 : i32
    return %c1_i32, %arg0, %c0_i32 : i32, i32, i32
  }
  func.func @transform_2(%arg0: i32) -> (i32, i32) {
    %c0_i32 = arith.constant 0 : i32
    %c0_i32_0 = arith.constant 0 : i32
    %c0_i32_1 = arith.constant 0 : i32
    return %c0_i32, %c0_i32_0 : i32, i32
  }
  func.func @transform_3(%arg0: i32) -> (i32, i32, i32) {
    %c0_i32 = arith.constant 0 : i32
    %c0_i32_0 = arith.constant 0 : i32
    %c0_i32_1 = arith.constant 0 : i32
    return %arg0, %c0_i32, %c0_i32_0 : i32, i32, i32
  }
  func.func @transform_4(%arg0: i32) -> (i32, i32) {
    %c0_i32 = arith.constant 0 : i32
    %c0_i32_0 = arith.constant 0 : i32
    %c0_i32_1 = arith.constant 0 : i32
    return %c0_i32, %c0_i32_0 : i32, i32
  }
  func.func @transform_5(%arg0: i32) -> (i32, i32) {
    %c0_i32 = arith.constant 0 : i32
    %c0_i32_0 = arith.constant 0 : i32
    %c0_i32_1 = arith.constant 0 : i32
    return %c0_i32, %c0_i32_0 : i32, i32
  }
  func.func @transform_6(%arg0: i32) -> (i32, i32) {
    %c0_i32 = arith.constant 0 : i32
    %c0_i32_0 = arith.constant 0 : i32
    %c0_i32_1 = arith.constant 0 : i32
    return %c0_i32, %c0_i32_0 : i32, i32
  }
}

</mosaic_0001>

<sc_bundles>
// kernel: kernel.11.cloned.1.call-start
scs
__scs_entry_jumppad:
0x0: {  	(pc) =	sbr.rel $0x88, $3  }
0x1: {  	(tag) =	ssettag $0x0;
	lr =	simm.s32 $0x1  }
0x2: {  	[smem:$0x3F98] =	sst lr;
	_ =	strace $0xD0000000  }
0x3: {  	_ = 	snop  }
0x4: {  	_ = 	snop  }
0x5: {  	_ = 	snop  }
0x6: {  	_ = 	snop  }
0x7: {  	_ = 	snop  }
__scs_overlays_trampoline_lowered:
0x8: {  	[smem:$0x3FA7] =	sst s0  }
0x9: {  	[smem:$0x3FA8] =	sst s1  }
0xa: {  	[smem:$0x3FA9] =	sst s2  }
0xb: {  	[smem:$0x3FAA] =	sst s3  }
0xc: {  	[smem:$0x3FAB] =	sst s4  }
0xd: {  	[smem:$0x3FAC] =	sst s5  }
0xe: {  	[smem:$0x3FAD] =	sst s6  }
0xf: {  	[smem:$0x3FAE] =	sst s7  }
0x10: {  	[smem:$0x3FAF] =	sst s8  }
0x11: {  	[smem:$0x3FB0] =	sst s9;
	s0 =	simm.s32 @!p0 $0x0  }
0x12: {  	s1 =	sld [smem:$0x3F96];
	s0 =	simm.s32 @p0 $0x1  }
0x13: {  	[smem:$0x3FB1] =	sst s0;
	s0 =	simm.s32 @!p1 $0x0  }
0x14: {  	s2 =	sld [smem:$0x3F95];
	s0 =	simm.s32 @p1 $0x1  }
0x15: {  	[smem:$0x3FB2] =	sst s0;
	s0 =	simm.s32 @!p2 $0x0  }
0x16: {  	s3 =	sld [smem:$0x3FDB];
	s0 =	simm.s32 @p2 $0x1  }
0x17: {  	s4 =	simm.s32 $0x1BF5;
	[smem:$0x3FB4] =	sst s0  }
0x18: {  	s0 =	sld [smem:$0x3F97];
	_ =	swait.ge [sflag:s4], $0x0  }
0x19: {  	s7 =	sld [smem:$0x3F98]  }
0x1a: {  	s8 =	sadd.s32 $0xFFFFE003, lr  }
0x1b: {  	s9 =	sadd.s32 $0xFFFFFEF7, lr;
	s5 =	simm.s32 $0xFFFFFFFF;
	p2 =	slt.u32 s8, $0xFFFFF086  }
0x1c: {  	p1 =	slt.u32 s9, $0xF7A;
	s5 =	simm.s32 @!p2 $0x0  }
0x1d: {  	s5 =	simm.s32 @p1 $0x1;
	p0 =	seq.s32 s7, s2  }
0x1e: {  	s7 =	smul.u32 @!p0 $0xF7A, s2;
	p2 =	seq.s32 @!p0 s5, $0x0  }
0x1f: {  	s9 =	smul.u32 $0xF7A, s1;
	s8 =	simm.s32 @!p0 $0x1BF5;
	p2 =	por !p2, p0  }
0x20: {  	[sflag:s8] =	ssyncset.s32 @!p0 $0xFFFFF086;
	s6 =	sadd.s32 @!p0 s3, s7;
	s7 =	simm.s32 @!p0 $0x108  }
0x21: {  	s3 =	sadd.s32 s3, s9;
	s6 =	sadd.s32 @!p0 $0x88, s6;
	s7 =	simm.s32 @p2 $0x1082  }
0x22: {  	[simem:s7], [sflag:s8] =	dma.local @!p0 [hbm:s6], $0xF7A  }
0x23: {  	s9 =	sor.u32 $0xD0000000, s2;
	s6 =	simm.s32 $0x108;
	_ =	swait.ge @!p0 [sflag:s8], $0x0  }
0x24: {  	s3 =	sadd.s32 $0x88, s3;
	s6 =	simm.s32 @!p1 $0x1082;
	[sflag:s4] =	ssyncset.s32 $0xFFFFF086  }
0x25: {  	[simem:s6], [sflag:s4] =	dma.local [hbm:s3], $0xF7A  }
0x26: {  	[smem:$0x3F98] =	sst s1;
	(tag) =	ssettag s2;
	_ =	strace s9  }
0x27: {  	s1 =	sld [smem:$0x3FA8]  }
0x28: {  	s2 =	sld [smem:$0x3FA9]  }
0x29: {  	s4 =	sld [smem:$0x3FAB]  }
0x2a: {  	p0 =	seq.s32 s5, $0x0;
	s5 =	sld [smem:$0x3FAC]  }
0x2b: {  	s6 =	sld [smem:$0x3FAD]  }
0x2c: {  	s7 =	sld [smem:$0x3FAE]  }
0x2d: {  	s3 =	simm.s32 $0x108;
	s8 =	sld [smem:$0x3FAF]  }
0x2e: {  	s3 =	simm.s32 @!p0 $0x1082;
	s9 =	sld [smem:$0x3FB0]  }
0x2f: {  	lr =	sadd.s32 s0, s3;
	s0 =	sld [smem:$0x3FA7]  }
0x30: {  	s3 =	sld [smem:$0x3FAA]  }
0x31: {  	[smem:$0x3FB3] =	sst s10  }
0x32: {  	s10 =	sld [smem:$0x3FB1];
	_ =	sdelay $0x3  }
0x33: {  	p0 =	seq.s32 s10, $0x1;
	s10 =	sld [smem:$0x3FB3];
	_ =	sdelay $0x3  }
0x34: {  	[smem:$0x3FB3] =	sst s10  }
0x35: {  	s10 =	sld [smem:$0x3FB2];
	_ =	sdelay $0x3  }
0x36: {  	p1 =	seq.s32 s10, $0x1;
	s10 =	sld [smem:$0x3FB3];
	_ =	sdelay $0x3  }
0x37: {  	[smem:$0x3FB3] =	sst s10  }
0x38: {  	s10 =	sld [smem:$0x3FB4]  }
0x39: {  	_ = 	snop;
	(pc) =	sbr.ind lr, $3  }
0x3a: {  	_ = 	snop  }
0x3b: {  	_ = 	snop  }
0x3c: {  	p2 =	seq.s32 s10, $0x1;
	s10 =	sld [smem:$0x3FB3]  }
0x3d: {  	_ =	shalt  }
0x3e: {  	_ =	shalt  }
0x3f: {  	_ =	shalt  }
0x40: {  	_ =	shalt  }
0x41: {  	_ =	shalt  }
0x42: {  	_ =	shalt  }
0x43: {  	_ =	shalt  }
0x44: {  	_ =	shalt  }
0x45: {  	_ =	shalt  }
0x46: {  	_ =	shalt  }
0x47: {  	_ =	shalt  }
0x48: {  	_ =	shalt  }
0x49: {  	_ =	shalt  }
0x4a: {  	_ =	shalt  }
0x4b: {  	_ =	shalt  }
0x4c: {  	_ =	shalt  }
0x4d: {  	_ =	shalt  }
0x4e: {  	_ =	shalt  }
0x4f: {  	_ =	shalt  }
0x50: {  	_ =	shalt  }
0x51: {  	_ =	shalt  }
0x52: {  	_ =	shalt  }
0x53: {  	_ =	shalt  }
0x54: {  	_ =	shalt  }
0x55: {  	_ =	shalt  }
0x56: {  	_ =	shalt  }
0x57: {  	_ =	shalt  }
0x58: {  	_ =	shalt  }
0x59: {  	_ =	shalt  }
0x5a: {  	_ =	shalt  }
0x5b: {  	_ =	shalt  }
0x5c: {  	_ =	shalt  }
0x5d: {  	_ =	shalt  }
0x5e: {  	_ =	shalt  }
0x5f: {  	_ =	shalt  }
0x60: {  	_ =	shalt  }
0x61: {  	_ =	shalt  }
0x62: {  	_ =	shalt  }
0x63: {  	_ =	shalt  }
0x64: {  	_ =	shalt  }
0x65: {  	_ =	shalt  }
0x66: {  	_ =	shalt  }
0x67: {  	_ =	shalt  }
0x68: {  	_ =	shalt  }
0x69: {  	_ =	shalt  }
0x6a: {  	_ =	shalt  }
0x6b: {  	_ =	shalt  }
0x6c: {  	_ =	shalt  }
0x6d: {  	_ =	shalt  }
0x6e: {  	_ =	shalt  }
0x6f: {  	_ =	shalt  }
0x70: {  	_ =	shalt  }
0x71: {  	_ =	shalt  }
0x72: {  	_ =	shalt  }
0x73: {  	_ =	shalt  }
0x74: {  	_ =	shalt  }
0x75: {  	_ =	shalt  }
0x76: {  	_ =	shalt  }
0x77: {  	_ =	shalt  }
0x78: {  	_ =	shalt  }
0x79: {  	_ =	shalt  }
0x7a: {  	_ =	shalt  }
0x7b: {  	_ =	shalt  }
0x7c: {  	_ =	shalt  }
0x7d: {  	_ =	shalt  }
0x7e: {  	_ =	shalt  }
0x7f: {  	_ =	shalt  }
0x80: {  	_ =	shalt  }
0x81: {  	_ =	shalt  }
0x82: {  	_ =	shalt  }
0x83: {  	_ =	shalt  }
0x84: {  	_ =	shalt  }
0x85: {  	_ =	shalt  }
0x86: {  	_ =	shalt  }
0x87: {  	_ =	shalt  }
.Lfunc_end0:
.L_simem_size_0:
called_computation.1_lowered:
.L_overlay_start_0:
0x88: {  	s2 =	sld [smem:$0x3FD9]  }
0x89: {  	s3 =	sld [smem:$0x3FFE];
	_ =	sdelay $0x1  }
0x8a: {  	s1 =	srdreg.scid  }
0x8b: {  	s0 =	sand.u32 $0x1, s1  }
0x8c: {  	s16 =	sshll.u32 s0, $0xA;
	s2 =	sadd.s32 s3, s2  }
0x8d: {  	s2 =	sadd.s32 s2, s16  }
0x8e: {  	[smem:$0x3FBF] =	sst s2  }
0x8f: {  	_ = 	snop  }
0x90: {  	(tm) =	ssettm $0x1  }
0x91: {  	s17 =	sld [smem:$0x3FFB];
	_ =	sdelay $0x3  }
0x92: {  	_ =	strace s17  }
0x93: {  	s2 =	sld [smem:$0x3FFC];
	_ =	sdelay $0x3  }
0x94: {  	_ =	strace s2  }
0x95: {  	s2 =	sld [smem:$0x3FFD];
	_ =	sdelay $0x3  }
0x96: {  	_ =	strace s2  }
0x97: {  	_ =	strace $0x8FFFFFFF  }
0x98: {  	s18 =	sld [smem:$0x3FDB];
	_ =	sdelay $0x1  }
0x99: {  	s19 =	simm.s32 $_scs_section_size  }
0x9a: {  	s4 =	simm.s32 $_size__tile_overlayer_lowered;
	s5 =	simm.s32 $_tile_overlayer_lowered  }
0x9b: {  	s22 =	simm.s32 $0x1BFF;
	s21 =	sshll.u32 s5, $0x1;
	s2 =	sadd.s32 s19, s18  }
0x9c: {  	s6 =	simm.s32 $0x0;
	s20 =	sshll.u32 s4, $0x1;
	s4 =	sadd.s32 s21, s2  }
0x9d: {  	[timem:s6], [sflag:s22] =	dma.local [hbm:s4], s20  }
0x9e: {  	_ =	swait.ge [sflag:s22], s20  }
0x9f: {  	s3 =	ssub.s32 $0x0, s20;
	[sflag:s22] =	ssyncset.done $0x0  }
0xa0: {  	[sflag:s22] =	ssyncadd.s32 s3;
	_ =	sdelay $0x1  }
0xa1: {  	s23 =	simm.s32 $0x1B8B  }
0xa2: {  	_ =	swait.ge [sflag:s23], $0x1  }
0xa3: {  	[sflag:s23] =	ssyncset.done $0x0  }
0xa4: {  	s25 =	simm.s32 $0x1B8E;
	s24 =	sld [smem:$0x3FFE];
	[sflag:s23] =	ssyncadd.s32 $0xFFFFFFFF  }
0xa5: {  	s26 =	simm.s32 $execute0_lowered;
	[smem:$0x3FD2] =	sst s25  }
0xa6: {  	s4 =	sshll.u32 s26, $0x1;
	_ =	strace $0x80000049;
	[dreg:$0x1] =	wrdreg $0xFFFFFFFF  }
0xa7: {  	s28 =	simm.s32 $_size_execute0_lowered;
	s2 =	sadd.s32 s2, s4;
	[dreg:$0x0] =	wrdreg $0x0  }
0xa8: {  	s4 =	sshll.u32 s28, $0x1;
	[dreg:$0x2] =	wrdreg s2  }
0xa9: {  	[dreg:$0x3] =	wrdreg s4  }
0xaa: {  	[dreg:$0x4] =	wrdreg $0xC0  }
0xab: {  	_ =	task [dreg:s6], $0x5FFFF  }
0xac: {  	[dreg:$0x1] =	wrdreg $0xFFFFFFFF  }
0xad: {  	[dreg:$0x0] =	wrdreg $0x60  }
0xae: {  	[dreg:$0x2] =	wrdreg s24  }
0xaf: {  	[dreg:$0x3] =	wrdreg $0xA8000  }
0xb0: {  	[dreg:$0x4] =	wrdreg $0x9  }
0xb1: {  	_ =	task.clear_ibuf [dreg:s6], $0x5FFFF;
	_ =	strace $0x90000049  }
0xb2: {  	s29 =	simm.s32 $0x9;
	_ =	strace $0x8000004B  }
0xb3: {  	_ =	swait.ge [sflag:s29], $0x1  }
0xb4: {  	[sflag:s29] =	ssyncadd.s32 $0xFFFFFFFF  }
0xb5: {  	_ =	strace $0x9000004B  }
0xb6: {  	_ =	sfence  }
0xb7: {  	s30 =	sld [smem:$0x0];
	_ =	sdelay $0x2  }
0xb8: {  	s31 =	sshll.u32 s1, $0xD;
	s1 =	sshrl.u32 s1, $0x2  }
0xb9: {  	s3 =	sand.u32 $0x4000, s31;
	s1 =	sadd.s32 s1, s30  }
0xba: {  	s0 =	sor.u32 s3, s0;
	s1 =	sshll.u32 s1, $0x11  }
0xbb: {  	s0 =	sor.u32 s1, s0  }
0xbc: {  	s0 =	sadd.s32 $0x8F2B, s0  }
0xbd: {  	[sflag:s0] =	ssyncadd.remote.s32 $0x1  }
0xbe: {  	_ =	sfence.sel $0xFFFF  }
0xbf: {  	[dreg:$0x0] =	wrdreg $0xFFFFFFFF;
	(pc) =	sbr.abs _section_cstart, $3  }
0xc0: {  	[dreg:$0x1] =	wrdreg $0xFFFFFFFF  }
0xc1: {  	_ =	task.clear_ibuf [dreg:s6], $0x2FFFF;
	_ =	strace $0x9FFFFFFF  }
0xc2: {  	(tm) =	ssettm $0x7FFFFFFF  }
0xc3: {  	_ =	shalt  }
tec
execute0_lowered:
.L_overlay_start_1:
0x0: {  	(tag) =	ssettag $0x1  }
0x1: {  	s5 =	rddreg [dreg:$0x0]  }
0x2: {  	s2 =	rddreg [dreg:$0x1]  }
0x3: {  	s0 =	srdreg.scid;
	s1 =	rddreg [dreg:$0x2]  }
0x4: {  	s3 =	simm.s32 $0x0;
	s14 =	simm.s32 $0x5;
	s15 =	simm.s32 $0x1400  }
0x5: {  	s16 =	simm.s32 $0x80;
	s17 =	simm.s32 $0x2800;
	s18 =	simm.s32 $0x6800  }
0x6: {  	s19 =	simm.s32 $0x2;
	s20 =	simm.s32 $0x1480;
	s6 =	sand.u32 $0x1, s0  }
0x7: {  	s21 =	simm.s32 $0x3;
	s0 =	stileid.u32;
	s4 =	smul.u32 $0x500, s6  }
0x8: {  	s22 =	simm.s32 $0x4;
	s23 =	simm.s32 $0x1;
	s7 =	smul.u32 $0x50, s0  }
0x9: {  	s24 =	simm.s32 $0x0;
	[smem:$0x7FF] =	sst s3;
	s8 =	smul.u32 $0x14000, s0  }
0xa: {  	s9 =	smul.u32 $0x140000, s6;
	_ =	strace $0x8000004A;
	s6 =	ssub.s32 $0x2, s6  }
0xb: {  	s28 =	smul.u32 $0x50000, s0;
	s31 =	sshll.u32 s0, $0x6;
	s29 =	sshrl.u32 s6, $0x1  }
0xc: {  	s7 =	sadd.s32 s7, s4;
	s4 =	sadd.s32 $0x8F800, s5;
	s26 =	sshrl.u32 s8, $0x3  }
0xd: {  	s8 =	sadd.s32 s8, s9;
	s12 =	ssub.s32 s6, s29;
	s30 =	sshrl.u32 s28, $0x2  }
0xe: {  	s6 =	sor.u32 $0x1C05, s31;
	s7 =	sshll.u32 s7, $0x4;
	s8 =	sshrl.u32 s8, $0x3  }
0xf: {  	s13 =	sadd.s32 s30, s2;
	s12 =	smax.u32 s12, $0x1;
	s10 =	sadd.s32 s7, s5  }
0x10: {  	s7 =	sadd.s32 s26, s5;
	s11 =	sadd.s32 s8, s5;
	s13 =	sshrl.u32 s13, $0x3  }
0x11: {  	s5 =	sadd.s32 $0x17000, s7;
	s7 =	sadd.s32 $0x3000, s10;
	s8 =	sadd.s32 $0xD000, s10  }
0x12: {  	s9 =	sadd.s32 $0x3280, s10;
	s10 =	sadd.s32 $0xD280, s10;
	s11 =	sadd.s32 $0xB7800, s11  }
.LBB2_1:
0x13: {  	[spmem:s13], [sflag:s6] =	dma.local [hbm:s5], $0x2800  }
0x14: {  	_ =	swait.ge [sflag:s14], $0x2800  }
0x15: {  	[sflag:s14] =	ssyncset.done $0x0  }
0x16: {  	[sflag:s14] =	ssyncadd.s32 $0xFFFFD800  }
0x17: {  	[tilespmem:s3], [sflag:$0x5] =	stream.linear.gather [hbm4b:s7+s3], $0x1400, $0x38;
	[tilespmem:$0x1E800] =	vst v63  }
0x18: {  	_ =	swait.ge [sflag:s14], $0x1400  }
0x19: {  	[sflag:s14] =	ssyncset.done $0x0  }
0x1a: {  	[sflag:s14] =	ssyncadd.s32 $0xFFFFEC00  }
0x1b: {  	[tilespmem:s15], [sflag:$0x5] =	stream.linear.gather [hbm4b:s8+s3], $0x1400, $0x38;
	[tilespmem:$0x1E800] =	vst v63  }
0x1c: {  	_ =	swait.ge [sflag:s14], $0x1400  }
0x1d: {  	[sflag:s14] =	ssyncset.done $0x0  }
0x1e: {  	[sflag:s14] =	ssyncadd.s32 $0xFFFFEC00  }
0x1f: {  	[bflag:$0x0] =	sbarrier.arrive $0xFFFF  }
0x20: {  	[tilespmem:s17], [sflag:$0x1] =	stream.indirect.gather [hbm4b:s4+s16], $0x80, s3, s16, $0xb8;
	[tilespmem:$0x1E800] =	vst v63  }
0x21: {  	_ = 	snop  }
0x22: {  	[tilespmem:s18], [sflag:$0x2] =	stream.indirect.gather [hbm4b:s4+s16], $0x80, s16, s16, $0xb8;
	[tilespmem:$0x1E800] =	vst v63  }
0x23: {  	_ =	swait.ge [sflag:s23], $0x4000  }
0x24: {  	[sflag:s23] =	ssyncset.done $0x0  }
0x25: {  	[sflag:s23] =	ssyncadd.s32 $0xFFFFC000  }
0x26: {  	[spmem:s2] =	stream.indirect.scatter.add.f32 [tilespmem:s17], [sflag:$0x3], $0x80, s15, s16, $0xb8;
	[tilespmem:$0x1E800] =	vst v63  }
0x27: {  	_ =	swait.ge [sflag:s19], $0x4000  }
0x28: {  	[sflag:s19] =	ssyncset.done $0x0  }
0x29: {  	[sflag:s19] =	ssyncadd.s32 $0xFFFFC000  }
0x2a: {  	[spmem:s2] =	stream.indirect.scatter.add.f32 [tilespmem:s18], [sflag:$0x4], $0x80, s20, s16, $0xb8;
	[tilespmem:$0x1E800] =	vst v63  }
0x2b: {  	_ =	swait.ge [sflag:s21], $0x4000  }
0x2c: {  	[sflag:s21] =	ssyncset.done $0x0  }
0x2d: {  	[sflag:s21] =	ssyncadd.s32 $0xFFFFC000  }
0x2e: {  	_ =	swait.ge [sflag:s22], $0x4000  }
0x2f: {  	p0 =	por $0x1, $0x1;
	[sflag:s22] =	ssyncset.done $0x0  }
0x30: {  	s25 =	simm.s32 @!p0 $0x0;
	s26 =	simm.s32 @!p0 $0x5;
	[sflag:s22] =	ssyncadd.s32 $0xFFFFC000  }
0x31: {  	[tilespmem:s25], [sflag:$0x5] =	stream.linear.gather @!p0 [hbm4b:s9+s25], $0x1400, $0x38;
	[tilespmem:$0x1E800] =	vst v63  }
0x32: {  	_ =	swait.ge @!p0 [sflag:s26], $0x1400  }
0x33: {  	[sflag:s26] =	ssyncset.done @!p0 $0x0  }
0x34: {  	s28 =	simm.s32 @!p0 $0x1400;
	[sflag:s26] =	ssyncadd.s32 @!p0 $0xFFFFEC00  }
0x35: {  	[tilespmem:s28], [sflag:$0x5] =	stream.linear.gather @!p0 [hbm4b:s10+s25], $0x1400, $0x38;
	[tilespmem:$0x1E800] =	vst v63  }
0x36: {  	p1 =	por $0x1, $0x1;
	_ =	swait.ge @!p0 [sflag:s26], $0x1400  }
0x37: {  	s28 =	simm.s32 $0xFFFFED00;
	s25 =	simm.s32 $0x100;
	[sflag:s26] =	ssyncset.done @!p0 $0x0  }
0x38: {  	s28 =	smov.u32 @p1 s25;
	[sflag:s26] =	ssyncadd.s32 @!p0 $0xFFFFEC00  }
0x39: {  	[tilespmem:s17], [sflag:$0x1] =	stream.indirect.gather [hbm4b:s4+s16], $0x80, s28, s16, $0xb8;
	[tilespmem:$0x1E800] =	vst v63  }
0x3a: {  	s25 =	sor.u32 $0x80, s28  }
0x3b: {  	[tilespmem:s18], [sflag:$0x2] =	stream.indirect.gather [hbm4b:s4+s16], $0x80, s25, s16, $0xb8;
	[tilespmem:$0x1E800] =	vst v63  }
0x3c: {  	_ =	swait.ge [sflag:s23], $0x4000  }
0x3d: {  	[sflag:s23] =	ssyncset.done $0x0  }
0x3e: {  	s31 =	sadd.s32 $0x1400, s28;
	[sflag:s23] =	ssyncadd.s32 $0xFFFFC000  }
0x3f: {  	[spmem:s2] =	stream.indirect.scatter.add.f32 [tilespmem:s17], [sflag:$0x3], $0x80, s31, s16, $0xb8;
	[tilespmem:$0x1E800] =	vst v63  }
0x40: {  	_ =	swait.ge [sflag:s19], $0x4000  }
0x41: {  	s26 =	simm.s32 $0x2;
	[sflag:s19] =	ssyncset.done $0x0  }
0x42: {  	s28 =	sadd.s32 $0x1480, s28;
	s25 =	simm.s32 $0xFFFFEE00;
	[sflag:s19] =	ssyncadd.s32 $0xFFFFC000  }
.LBB2_2:
0x43: {  	[spmem:s2] =	stream.indirect.scatter.add.f32 [tilespmem:s18], [sflag:$0x4], $0x80, s28, s16, $0xb8;
	[tilespmem:$0x1E800] =	vst v63  }
0x44: {  	s28 =	smov.u32 s25;
	s25 =	sadd.s32 $0x100, s25;
	_ =	swait.ge [sflag:s21], $0x4000  }
0x45: {  	p0 =	sne.s32 s25, $0x1400;
	[sflag:s21] =	ssyncset.done $0x0  }
0x46: {  	[sflag:s21] =	ssyncadd.s32 $0xFFFFC000  }
0x47: {  	_ =	swait.ge [sflag:s22], $0x4000  }
0x48: {  	p1 =	sne.s32 s28, $0x0;
	[sflag:s22] =	ssyncset.done $0x0  }
0x49: {  	s29 =	simm.s32 @!p1 $0x0;
	s30 =	simm.s32 @!p1 $0x5;
	[sflag:s22] =	ssyncadd.s32 $0xFFFFC000  }
0x4a: {  	[tilespmem:s29], [sflag:$0x5] =	stream.linear.gather @!p1 [hbm4b:s9+s29], $0x1400, $0x38;
	[tilespmem:$0x1E800] =	vst v63  }
0x4b: {  	_ =	swait.ge @!p1 [sflag:s30], $0x1400  }
0x4c: {  	[sflag:s30] =	ssyncset.done @!p1 $0x0  }
0x4d: {  	s31 =	simm.s32 @!p1 $0x1400;
	[sflag:s30] =	ssyncadd.s32 @!p1 $0xFFFFEC00  }
0x4e: {  	[tilespmem:s31], [sflag:$0x5] =	stream.linear.gather @!p1 [hbm4b:s10+s29], $0x1400, $0x38;
	[tilespmem:$0x1E800] =	vst v63  }
0x4f: {  	_ =	swait.ge @!p1 [sflag:s30], $0x1400  }
0x50: {  	p2 =	slt.u32 s26, $0x14;
	s29 =	sadd.s32 $0x1400, s28;
	[sflag:s30] =	ssyncset.done @!p1 $0x0  }
0x51: {  	s28 =	smov.u32 @p2 s29;
	[sflag:s30] =	ssyncadd.s32 @!p1 $0xFFFFEC00  }
0x52: {  	[tilespmem:s17], [sflag:$0x1] =	stream.indirect.gather [hbm4b:s4+s16], $0x80, s28, s16, $0xb8;
	[tilespmem:$0x1E800] =	vst v63  }
0x53: {  	s29 =	sor.u32 $0x80, s28  }
0x54: {  	[tilespmem:s18], [sflag:$0x2] =	stream.indirect.gather [hbm4b:s4+s16], $0x80, s29, s16, $0xb8;
	[tilespmem:$0x1E800] =	vst v63  }
0x55: {  	_ =	swait.ge [sflag:s23], $0x4000  }
0x56: {  	[sflag:s23] =	ssyncset.done $0x0  }
.Ltmp0:
0x57: {  	s29 =	sadd.s32 $0x1400, s28;
	[sflag:s23] =	ssyncadd.s32 $0xFFFFC000;
	(pc) =	sbr.rel @p0 .LBB2_2-.Ltmp0, $4  }
0x58: {  	[spmem:s2] =	stream.indirect.scatter.add.f32 [tilespmem:s17], [sflag:$0x3], $0x80, s29, s16, $0xb8;
	[tilespmem:$0x1E800] =	vst v63  }
0x59: {  	_ =	swait.ge [sflag:s19], $0x4000  }
0x5a: {  	[sflag:s19] =	ssyncset.done $0x0  }
0x5b: {  	s26 =	sadd.s32 $0x1, s26;
	s28 =	sadd.s32 $0x1480, s28;
	[sflag:s19] =	ssyncadd.s32 $0xFFFFC000  }
0x5c: {  	[spmem:s2] =	stream.indirect.scatter.add.f32 [tilespmem:s18], [sflag:$0x4], $0x80, s28, s16, $0xb8;
	[tilespmem:$0x1E800] =	vst v63  }
0x5d: {  	_ =	swait.ge [sflag:s21], $0x4000  }
0x5e: {  	[sflag:s21] =	ssyncset.done $0x0  }
0x5f: {  	[sflag:s21] =	ssyncadd.s32 $0xFFFFC000  }
0x60: {  	_ =	swait.ge [sflag:s22], $0x4000  }
0x61: {  	s24 =	sadd.s32 $0x1, s24;
	[sflag:s22] =	ssyncset.done $0x0  }
0x62: {  	p0 =	sne.s32 s24, s12;
	[sflag:s22] =	ssyncadd.s32 $0xFFFFC000  }
.Ltmp1:
0x63: {  	[bflag:$0x0] =	sbarrier.arrive $0xFFFF;
	(pc) =	sbr.rel @p0 .LBB2_1-.Ltmp1, $4  }
0x64: {  	[hbm:s11], [sflag:s6] =	dma.local [spmem:s13], $0x2800  }
0x65: {  	_ =	swait.ge [sflag:s14], $0x2800  }
0x66: {  	[sflag:s14] =	ssyncset.done $0x0  }
0x67: {  	[sflag:s14] =	ssyncadd.s32 $0xFFFFD800  }
0x68: {  	_ =	sfence.sel $0x180000  }
0x69: {  	[bflag:$0x0] =	sbarrier.arrive $0xFFFF  }
0x6a: {  	p0 =	sne.s32 s0, $0x0;
	_ =	strace $0x9000004A  }
0x6b: {  	s0 =	sadd.s32 @!p0 $0x100000, s1;
	[bflag:$0x2] =	sbarrier.arrive $0xFFFF  }
0x6c: {  	[sflag:s0] =	ssyncadd.tile.s32 @!p0 $0x1;
	_ =	shalt  }
.Lfunc_end2:
_tile_overlayer_lowered:
.L_overlay_start_2:
0x6d: {  	(tag) =	ssettag $0x2  }
0x6e: {  	s0 =	rddreg [dreg:$0x0];
	s2 =	stileid.u32  }
0x6f: {  	s1 =	rddreg [dreg:$0x1];
	p0 =	sne.s32 s2, $0x0  }
0x70: {  	s3 =	rddreg [dreg:$0x2];
	[bflag:$0x3] =	sbarrier.arrive $0xFFFF;
	s2 =	simm.s32 @!p0 $0x1C05  }
0x71: {  	[timem:s3], [sflag:s2] =	dma.local @!p0 [hbm:s0], s1  }
0x72: {  	s0 =	simm.s32 @!p0 $0x5  }
0x73: {  	_ =	swait.ge @!p0 [sflag:s0], s1  }
0x74: {  	s1 =	ssub.s32 @!p0 $0x0, s1;
	[sflag:s0] =	ssyncset.done @!p0 $0x0  }
0x75: {  	[sflag:s0] =	ssyncadd.s32 @!p0 s1  }
0x76: {  	[bflag:$0x3] =	sbarrier.arrive $0xFFFF  }
0x77: {  	_ =	shalt  }

// kernel: kernel.14.cloned.1.call-start
scs
__scs_entry_jumppad:
0x0: {  	(pc) =	sbr.rel $0x88, $3  }
0x1: {  	(tag) =	ssettag $0x0;
	lr =	simm.s32 $0x1  }
0x2: {  	[smem:$0x3F98] =	sst lr;
	_ =	strace $0xD0000000  }
0x3: {  	_ = 	snop  }
0x4: {  	_ = 	snop  }
0x5: {  	_ = 	snop  }
0x6: {  	_ = 	snop  }
0x7: {  	_ = 	snop  }
__scs_overlays_trampoline_lowered:
0x8: {  	[smem:$0x3FA7] =	sst s0  }
0x9: {  	[smem:$0x3FA8] =	sst s1  }
0xa: {  	[smem:$0x3FA9] =	sst s2  }
0xb: {  	[smem:$0x3FAA] =	sst s3  }
0xc: {  	[smem:$0x3FAB] =	sst s4  }
0xd: {  	[smem:$0x3FAC] =	sst s5  }
0xe: {  	[smem:$0x3FAD] =	sst s6  }
0xf: {  	[smem:$0x3FAE] =	sst s7  }
0x10: {  	[smem:$0x3FAF] =	sst s8  }
0x11: {  	[smem:$0x3FB0] =	sst s9;
	s0 =	simm.s32 @!p0 $0x0  }
0x12: {  	s1 =	sld [smem:$0x3F96];
	s0 =	simm.s32 @p0 $0x1  }
0x13: {  	[smem:$0x3FB1] =	sst s0;
	s0 =	simm.s32 @!p1 $0x0  }
0x14: {  	s2 =	sld [smem:$0x3F95];
	s0 =	simm.s32 @p1 $0x1  }
0x15: {  	[smem:$0x3FB2] =	sst s0;
	s0 =	simm.s32 @!p2 $0x0  }
0x16: {  	s3 =	sld [smem:$0x3FDB];
	s0 =	simm.s32 @p2 $0x1  }
0x17: {  	s4 =	simm.s32 $0x1BF5;
	[smem:$0x3FB4] =	sst s0  }
0x18: {  	s0 =	sld [smem:$0x3F97];
	_ =	swait.ge [sflag:s4], $0x0  }
0x19: {  	s7 =	sld [smem:$0x3F98]  }
0x1a: {  	s8 =	sadd.s32 $0xFFFFE003, lr  }
0x1b: {  	s9 =	sadd.s32 $0xFFFFFEF7, lr;
	s5 =	simm.s32 $0xFFFFFFFF;
	p2 =	slt.u32 s8, $0xFFFFF086  }
0x1c: {  	p1 =	slt.u32 s9, $0xF7A;
	s5 =	simm.s32 @!p2 $0x0  }
0x1d: {  	s5 =	simm.s32 @p1 $0x1;
	p0 =	seq.s32 s7, s2  }
0x1e: {  	s7 =	smul.u32 @!p0 $0xF7A, s2;
	p2 =	seq.s32 @!p0 s5, $0x0  }
0x1f: {  	s9 =	smul.u32 $0xF7A, s1;
	s8 =	simm.s32 @!p0 $0x1BF5;
	p2 =	por !p2, p0  }
0x20: {  	[sflag:s8] =	ssyncset.s32 @!p0 $0xFFFFF086;
	s6 =	sadd.s32 @!p0 s3, s7;
	s7 =	simm.s32 @!p0 $0x108  }
0x21: {  	s3 =	sadd.s32 s3, s9;
	s6 =	sadd.s32 @!p0 $0x88, s6;
	s7 =	simm.s32 @p2 $0x1082  }
0x22: {  	[simem:s7], [sflag:s8] =	dma.local @!p0 [hbm:s6], $0xF7A  }
0x23: {  	s9 =	sor.u32 $0xD0000000, s2;
	s6 =	simm.s32 $0x108;
	_ =	swait.ge @!p0 [sflag:s8], $0x0  }
0x24: {  	s3 =	sadd.s32 $0x88, s3;
	s6 =	simm.s32 @!p1 $0x1082;
	[sflag:s4] =	ssyncset.s32 $0xFFFFF086  }
0x25: {  	[simem:s6], [sflag:s4] =	dma.local [hbm:s3], $0xF7A  }
0x26: {  	[smem:$0x3F98] =	sst s1;
	(tag) =	ssettag s2;
	_ =	strace s9  }
0x27: {  	s1 =	sld [smem:$0x3FA8]  }
0x28: {  	s2 =	sld [smem:$0x3FA9]  }
0x29: {  	s4 =	sld [smem:$0x3FAB]  }
0x2a: {  	p0 =	seq.s32 s5, $0x0;
	s5 =	sld [smem:$0x3FAC]  }
0x2b: {  	s6 =	sld [smem:$0x3FAD]  }
0x2c: {  	s7 =	sld [smem:$0x3FAE]  }
0x2d: {  	s3 =	simm.s32 $0x108;
	s8 =	sld [smem:$0x3FAF]  }
0x2e: {  	s3 =	simm.s32 @!p0 $0x1082;
	s9 =	sld [smem:$0x3FB0]  }
0x2f: {  	lr =	sadd.s32 s0, s3;
	s0 =	sld [smem:$0x3FA7]  }
0x30: {  	s3 =	sld [smem:$0x3FAA]  }
0x31: {  	[smem:$0x3FB3] =	sst s10  }
0x32: {  	s10 =	sld [smem:$0x3FB1];
	_ =	sdelay $0x3  }
0x33: {  	p0 =	seq.s32 s10, $0x1;
	s10 =	sld [smem:$0x3FB3];
	_ =	sdelay $0x3  }
0x34: {  	[smem:$0x3FB3] =	sst s10  }
0x35: {  	s10 =	sld [smem:$0x3FB2];
	_ =	sdelay $0x3  }
0x36: {  	p1 =	seq.s32 s10, $0x1;
	s10 =	sld [smem:$0x3FB3];
	_ =	sdelay $0x3  }
0x37: {  	[smem:$0x3FB3] =	sst s10  }
0x38: {  	s10 =	sld [smem:$0x3FB4]  }
0x39: {  	_ = 	snop;
	(pc) =	sbr.ind lr, $3  }
0x3a: {  	_ = 	snop  }
0x3b: {  	_ = 	snop  }
0x3c: {  	p2 =	seq.s32 s10, $0x1;
	s10 =	sld [smem:$0x3FB3]  }
0x3d: {  	_ =	shalt  }
0x3e: {  	_ =	shalt  }
0x3f: {  	_ =	shalt  }
0x40: {  	_ =	shalt  }
0x41: {  	_ =	shalt  }
0x42: {  	_ =	shalt  }
0x43: {  	_ =	shalt  }
0x44: {  	_ =	shalt  }
0x45: {  	_ =	shalt  }
0x46: {  	_ =	shalt  }
0x47: {  	_ =	shalt  }
0x48: {  	_ =	shalt  }
0x49: {  	_ =	shalt  }
0x4a: {  	_ =	shalt  }
0x4b: {  	_ =	shalt  }
0x4c: {  	_ =	shalt  }
0x4d: {  	_ =	shalt  }
0x4e: {  	_ =	shalt  }
0x4f: {  	_ =	shalt  }
0x50: {  	_ =	shalt  }
0x51: {  	_ =	shalt  }
0x52: {  	_ =	shalt  }
0x53: {  	_ =	shalt  }
0x54: {  	_ =	shalt  }
0x55: {  	_ =	shalt  }
0x56: {  	_ =	shalt  }
0x57: {  	_ =	shalt  }
0x58: {  	_ =	shalt  }
0x59: {  	_ =	shalt  }
0x5a: {  	_ =	shalt  }
0x5b: {  	_ =	shalt  }
0x5c: {  	_ =	shalt  }
0x5d: {  	_ =	shalt  }
0x5e: {  	_ =	shalt  }
0x5f: {  	_ =	shalt  }
0x60: {  	_ =	shalt  }
0x61: {  	_ =	shalt  }
0x62: {  	_ =	shalt  }
0x63: {  	_ =	shalt  }
0x64: {  	_ =	shalt  }
0x65: {  	_ =	shalt  }
0x66: {  	_ =	shalt  }
0x67: {  	_ =	shalt  }
0x68: {  	_ =	shalt  }
0x69: {  	_ =	shalt  }
0x6a: {  	_ =	shalt  }
0x6b: {  	_ =	shalt  }
0x6c: {  	_ =	shalt  }
0x6d: {  	_ =	shalt  }
0x6e: {  	_ =	shalt  }
0x6f: {  	_ =	shalt  }
0x70: {  	_ =	shalt  }
0x71: {  	_ =	shalt  }
0x72: {  	_ =	shalt  }
0x73: {  	_ =	shalt  }
0x74: {  	_ =	shalt  }
0x75: {  	_ =	shalt  }
0x76: {  	_ =	shalt  }
0x77: {  	_ =	shalt  }
0x78: {  	_ =	shalt  }
0x79: {  	_ =	shalt  }
0x7a: {  	_ =	shalt  }
0x7b: {  	_ =	shalt  }
0x7c: {  	_ =	shalt  }
0x7d: {  	_ =	shalt  }
0x7e: {  	_ =	shalt  }
0x7f: {  	_ =	shalt  }
0x80: {  	_ =	shalt  }
0x81: {  	_ =	shalt  }
0x82: {  	_ =	shalt  }
0x83: {  	_ =	shalt  }
0x84: {  	_ =	shalt  }
0x85: {  	_ =	shalt  }
0x86: {  	_ =	shalt  }
0x87: {  	_ =	shalt  }
.Lfunc_end0:
.L_simem_size_0:
called_computation.2_lowered:
.L_overlay_start_0:
0x88: {  	s2 =	sld [smem:$0x3FD9]  }
0x89: {  	s3 =	sld [smem:$0x3FFE];
	_ =	sdelay $0x1  }
0x8a: {  	s1 =	srdreg.scid  }
0x8b: {  	s0 =	sand.u32 $0x1, s1  }
0x8c: {  	s16 =	sshll.u32 s0, $0xA;
	s2 =	sadd.s32 s3, s2  }
0x8d: {  	s2 =	sadd.s32 s2, s16  }
0x8e: {  	[smem:$0x3FBF] =	sst s2  }
0x8f: {  	_ = 	snop  }
0x90: {  	(tm) =	ssettm $0x1  }
0x91: {  	s17 =	sld [smem:$0x3FFB];
	_ =	sdelay $0x3  }
0x92: {  	_ =	strace s17  }
0x93: {  	s2 =	sld [smem:$0x3FFC];
	_ =	sdelay $0x3  }
0x94: {  	_ =	strace s2  }
0x95: {  	s2 =	sld [smem:$0x3FFD];
	_ =	sdelay $0x3  }
0x96: {  	_ =	strace s2  }
0x97: {  	_ =	strace $0x8FFFFFFF  }
0x98: {  	s18 =	sld [smem:$0x3FDB];
	_ =	sdelay $0x1  }
0x99: {  	s19 =	simm.s32 $_scs_section_size  }
0x9a: {  	s4 =	simm.s32 $_size__tile_overlayer_lowered;
	s5 =	simm.s32 $_tile_overlayer_lowered  }
0x9b: {  	s22 =	simm.s32 $0x1BFF;
	s21 =	sshll.u32 s5, $0x1;
	s2 =	sadd.s32 s19, s18  }
0x9c: {  	s6 =	simm.s32 $0x0;
	s20 =	sshll.u32 s4, $0x1;
	s4 =	sadd.s32 s21, s2  }
0x9d: {  	[timem:s6], [sflag:s22] =	dma.local [hbm:s4], s20  }
0x9e: {  	_ =	swait.ge [sflag:s22], s20  }
0x9f: {  	s3 =	ssub.s32 $0x0, s20;
	[sflag:s22] =	ssyncset.done $0x0  }
0xa0: {  	[sflag:s22] =	ssyncadd.s32 s3;
	_ =	sdelay $0x1  }
0xa1: {  	s23 =	simm.s32 $0x1B8B  }
0xa2: {  	_ =	swait.ge [sflag:s23], $0x1  }
0xa3: {  	[sflag:s23] =	ssyncset.done $0x0  }
0xa4: {  	s25 =	simm.s32 $0x1B8E;
	s24 =	sld [smem:$0x3FFE];
	[sflag:s23] =	ssyncadd.s32 $0xFFFFFFFF  }
0xa5: {  	s26 =	simm.s32 $execute0_lowered;
	[smem:$0x3FD2] =	sst s25  }
0xa6: {  	s4 =	sshll.u32 s26, $0x1;
	_ =	strace $0x8000004C;
	[dreg:$0x1] =	wrdreg $0xFFFFFFFF  }
0xa7: {  	s28 =	simm.s32 $_size_execute0_lowered;
	s2 =	sadd.s32 s2, s4;
	[dreg:$0x0] =	wrdreg $0x0  }
0xa8: {  	s4 =	sshll.u32 s28, $0x1;
	[dreg:$0x2] =	wrdreg s2  }
0xa9: {  	[dreg:$0x3] =	wrdreg s4  }
0xaa: {  	[dreg:$0x4] =	wrdreg $0xC0  }
0xab: {  	_ =	task [dreg:s6], $0x5FFFF  }
0xac: {  	[dreg:$0x1] =	wrdreg $0xFFFFFFFF  }
0xad: {  	[dreg:$0x0] =	wrdreg $0x60  }
0xae: {  	[dreg:$0x2] =	wrdreg s24  }
0xaf: {  	[dreg:$0x3] =	wrdreg $0xA8000  }
0xb0: {  	[dreg:$0x4] =	wrdreg $0x9  }
0xb1: {  	_ =	task.clear_ibuf [dreg:s6], $0x5FFFF;
	_ =	strace $0x9000004C  }
0xb2: {  	s29 =	simm.s32 $0x9;
	_ =	strace $0x8000004E  }
0xb3: {  	_ =	swait.ge [sflag:s29], $0x1  }
0xb4: {  	[sflag:s29] =	ssyncadd.s32 $0xFFFFFFFF  }
0xb5: {  	_ =	strace $0x9000004E  }
0xb6: {  	_ =	sfence  }
0xb7: {  	s30 =	sld [smem:$0x0];
	_ =	sdelay $0x2  }
0xb8: {  	s31 =	sshll.u32 s1, $0xD;
	s1 =	sshrl.u32 s1, $0x2  }
0xb9: {  	s3 =	sand.u32 $0x4000, s31;
	s1 =	sadd.s32 s1, s30  }
0xba: {  	s0 =	sor.u32 s3, s0;
	s1 =	sshll.u32 s1, $0x11  }
0xbb: {  	s0 =	sor.u32 s1, s0  }
0xbc: {  	s0 =	sadd.s32 $0x8F2B, s0  }
0xbd: {  	[sflag:s0] =	ssyncadd.remote.s32 $0x1  }
0xbe: {  	_ =	sfence.sel $0xFFFF  }
0xbf: {  	[dreg:$0x0] =	wrdreg $0xFFFFFFFF;
	(pc) =	sbr.abs _section_cstart, $3  }
0xc0: {  	[dreg:$0x1] =	wrdreg $0xFFFFFFFF  }
0xc1: {  	_ =	task.clear_ibuf [dreg:s6], $0x2FFFF;
	_ =	strace $0x9FFFFFFF  }
0xc2: {  	(tm) =	ssettm $0x7FFFFFFF  }
0xc3: {  	_ =	shalt  }
tec
execute0_lowered:
.L_overlay_start_1:
0x0: {  	(tag) =	ssettag $0x1  }
0x1: {  	s5 =	rddreg [dreg:$0x0]  }
0x2: {  	s2 =	rddreg [dreg:$0x1]  }
0x3: {  	s0 =	srdreg.scid;
	s1 =	rddreg [dreg:$0x2]  }
0x4: {  	s3 =	simm.s32 $0x0;
	s14 =	simm.s32 $0x5;
	s15 =	simm.s32 $0x1400  }
0x5: {  	s16 =	simm.s32 $0x80;
	s17 =	simm.s32 $0x2800;
	s18 =	simm.s32 $0x6800  }
0x6: {  	s19 =	simm.s32 $0x2;
	s20 =	simm.s32 $0x1480;
	s6 =	sand.u32 $0x1, s0  }
0x7: {  	s21 =	simm.s32 $0x3;
	s0 =	stileid.u32;
	s4 =	smul.u32 $0x500, s6  }
0x8: {  	s22 =	simm.s32 $0x4;
	s23 =	simm.s32 $0x1;
	s7 =	smul.u32 $0x50, s0  }
0x9: {  	s24 =	simm.s32 $0x0;
	[smem:$0x7FF] =	sst s3;
	s8 =	smul.u32 $0x14000, s0  }
0xa: {  	s9 =	smul.u32 $0x140000, s6;
	_ =	strace $0x8000004D;
	s6 =	ssub.s32 $0x2, s6  }
0xb: {  	s28 =	smul.u32 $0x50000, s0;
	s31 =	sshll.u32 s0, $0x6;
	s29 =	sshrl.u32 s6, $0x1  }
0xc: {  	s7 =	sadd.s32 s7, s4;
	s4 =	sadd.s32 $0x8F800, s5;
	s26 =	sshrl.u32 s8, $0x3  }
0xd: {  	s8 =	sadd.s32 s8, s9;
	s12 =	ssub.s32 s6, s29;
	s30 =	sshrl.u32 s28, $0x2  }
0xe: {  	s6 =	sor.u32 $0x1C05, s31;
	s7 =	sshll.u32 s7, $0x4;
	s8 =	sshrl.u32 s8, $0x3  }
0xf: {  	s13 =	sadd.s32 s30, s2;
	s12 =	smax.u32 s12, $0x1;
	s10 =	sadd.s32 s7, s5  }
0x10: {  	s7 =	sadd.s32 s26, s5;
	s11 =	sadd.s32 s8, s5;
	s13 =	sshrl.u32 s13, $0x3  }
0x11: {  	s5 =	sadd.s32 $0x17000, s7;
	s7 =	sadd.s32 $0x3000, s10;
	s8 =	sadd.s32 $0xD000, s10  }
0x12: {  	s9 =	sadd.s32 $0x3280, s10;
	s10 =	sadd.s32 $0xD280, s10;
	s11 =	sadd.s32 $0xB7800, s11  }
.LBB2_1:
0x13: {  	[spmem:s13], [sflag:s6] =	dma.local [hbm:s5], $0x2800  }
0x14: {  	_ =	swait.ge [sflag:s14], $0x2800  }
0x15: {  	[sflag:s14] =	ssyncset.done $0x0  }
0x16: {  	[sflag:s14] =	ssyncadd.s32 $0xFFFFD800  }
0x17: {  	[tilespmem:s3], [sflag:$0x5] =	stream.linear.gather [hbm4b:s7+s3], $0x1400, $0x38;
	[tilespmem:$0x1E800] =	vst v63  }
0x18: {  	_ =	swait.ge [sflag:s14], $0x1400  }
0x19: {  	[sflag:s14] =	ssyncset.done $0x0  }
0x1a: {  	[sflag:s14] =	ssyncadd.s32 $0xFFFFEC00  }
0x1b: {  	[tilespmem:s15], [sflag:$0x5] =	stream.linear.gather [hbm4b:s8+s3], $0x1400, $0x38;
	[tilespmem:$0x1E800] =	vst v63  }
0x1c: {  	_ =	swait.ge [sflag:s14], $0x1400  }
0x1d: {  	[sflag:s14] =	ssyncset.done $0x0  }
0x1e: {  	[sflag:s14] =	ssyncadd.s32 $0xFFFFEC00  }
0x1f: {  	[bflag:$0x0] =	sbarrier.arrive $0xFFFF  }
0x20: {  	[tilespmem:s17], [sflag:$0x1] =	stream.indirect.gather [hbm4b:s4+s16], $0x80, s3, s16, $0xb8;
	[tilespmem:$0x1E800] =	vst v63  }
0x21: {  	_ = 	snop  }
0x22: {  	[tilespmem:s18], [sflag:$0x2] =	stream.indirect.gather [hbm4b:s4+s16], $0x80, s16, s16, $0xb8;
	[tilespmem:$0x1E800] =	vst v63  }
0x23: {  	_ =	swait.ge [sflag:s23], $0x4000  }
0x24: {  	[sflag:s23] =	ssyncset.done $0x0  }
0x25: {  	[sflag:s23] =	ssyncadd.s32 $0xFFFFC000  }
0x26: {  	[spmem:s2] =	stream.indirect.scatter.add.f32 [tilespmem:s17], [sflag:$0x3], $0x80, s15, s16, $0xb8;
	[tilespmem:$0x1E800] =	vst v63  }
0x27: {  	_ =	swait.ge [sflag:s19], $0x4000  }
0x28: {  	[sflag:s19] =	ssyncset.done $0x0  }
0x29: {  	[sflag:s19] =	ssyncadd.s32 $0xFFFFC000  }
0x2a: {  	[spmem:s2] =	stream.indirect.scatter.add.f32 [tilespmem:s18], [sflag:$0x4], $0x80, s20, s16, $0xb8;
	[tilespmem:$0x1E800] =	vst v63  }
0x2b: {  	_ =	swait.ge [sflag:s21], $0x4000  }
0x2c: {  	[sflag:s21] =	ssyncset.done $0x0  }
0x2d: {  	[sflag:s21] =	ssyncadd.s32 $0xFFFFC000  }
0x2e: {  	_ =	swait.ge [sflag:s22], $0x4000  }
0x2f: {  	p0 =	por $0x1, $0x1;
	[sflag:s22] =	ssyncset.done $0x0  }
0x30: {  	s25 =	simm.s32 @!p0 $0x0;
	s26 =	simm.s32 @!p0 $0x5;
	[sflag:s22] =	ssyncadd.s32 $0xFFFFC000  }
0x31: {  	[tilespmem:s25], [sflag:$0x5] =	stream.linear.gather @!p0 [hbm4b:s9+s25], $0x1400, $0x38;
	[tilespmem:$0x1E800] =	vst v63  }
0x32: {  	_ =	swait.ge @!p0 [sflag:s26], $0x1400  }
0x33: {  	[sflag:s26] =	ssyncset.done @!p0 $0x0  }
0x34: {  	s28 =	simm.s32 @!p0 $0x1400;
	[sflag:s26] =	ssyncadd.s32 @!p0 $0xFFFFEC00  }
0x35: {  	[tilespmem:s28], [sflag:$0x5] =	stream.linear.gather @!p0 [hbm4b:s10+s25], $0x1400, $0x38;
	[tilespmem:$0x1E800] =	vst v63  }
0x36: {  	p1 =	por $0x1, $0x1;
	_ =	swait.ge @!p0 [sflag:s26], $0x1400  }
0x37: {  	s28 =	simm.s32 $0xFFFFED00;
	s25 =	simm.s32 $0x100;
	[sflag:s26] =	ssyncset.done @!p0 $0x0  }
0x38: {  	s28 =	smov.u32 @p1 s25;
	[sflag:s26] =	ssyncadd.s32 @!p0 $0xFFFFEC00  }
0x39: {  	[tilespmem:s17], [sflag:$0x1] =	stream.indirect.gather [hbm4b:s4+s16], $0x80, s28, s16, $0xb8;
	[tilespmem:$0x1E800] =	vst v63  }
0x3a: {  	s25 =	sor.u32 $0x80, s28  }
0x3b: {  	[tilespmem:s18], [sflag:$0x2] =	stream.indirect.gather [hbm4b:s4+s16], $0x80, s25, s16, $0xb8;
	[tilespmem:$0x1E800] =	vst v63  }
0x3c: {  	_ =	swait.ge [sflag:s23], $0x4000  }
0x3d: {  	[sflag:s23] =	ssyncset.done $0x0  }
0x3e: {  	s31 =	sadd.s32 $0x1400, s28;
	[sflag:s23] =	ssyncadd.s32 $0xFFFFC000  }
0x3f: {  	[spmem:s2] =	stream.indirect.scatter.add.f32 [tilespmem:s17], [sflag:$0x3], $0x80, s31, s16, $0xb8;
	[tilespmem:$0x1E800] =	vst v63  }
0x40: {  	_ =	swait.ge [sflag:s19], $0x4000  }
0x41: {  	s26 =	simm.s32 $0x2;
	[sflag:s19] =	ssyncset.done $0x0  }
0x42: {  	s28 =	sadd.s32 $0x1480, s28;
	s25 =	simm.s32 $0xFFFFEE00;
	[sflag:s19] =	ssyncadd.s32 $0xFFFFC000  }
.LBB2_2:
0x43: {  	[spmem:s2] =	stream.indirect.scatter.add.f32 [tilespmem:s18], [sflag:$0x4], $0x80, s28, s16, $0xb8;
	[tilespmem:$0x1E800] =	vst v63  }
0x44: {  	s28 =	smov.u32 s25;
	s25 =	sadd.s32 $0x100, s25;
	_ =	swait.ge [sflag:s21], $0x4000  }
0x45: {  	p0 =	sne.s32 s25, $0x1400;
	[sflag:s21] =	ssyncset.done $0x0  }
0x46: {  	[sflag:s21] =	ssyncadd.s32 $0xFFFFC000  }
0x47: {  	_ =	swait.ge [sflag:s22], $0x4000  }
0x48: {  	p1 =	sne.s32 s28, $0x0;
	[sflag:s22] =	ssyncset.done $0x0  }
0x49: {  	s29 =	simm.s32 @!p1 $0x0;
	s30 =	simm.s32 @!p1 $0x5;
	[sflag:s22] =	ssyncadd.s32 $0xFFFFC000  }
0x4a: {  	[tilespmem:s29], [sflag:$0x5] =	stream.linear.gather @!p1 [hbm4b:s9+s29], $0x1400, $0x38;
	[tilespmem:$0x1E800] =	vst v63  }
0x4b: {  	_ =	swait.ge @!p1 [sflag:s30], $0x1400  }
0x4c: {  	[sflag:s30] =	ssyncset.done @!p1 $0x0  }
0x4d: {  	s31 =	simm.s32 @!p1 $0x1400;
	[sflag:s30] =	ssyncadd.s32 @!p1 $0xFFFFEC00  }
0x4e: {  	[tilespmem:s31], [sflag:$0x5] =	stream.linear.gather @!p1 [hbm4b:s10+s29], $0x1400, $0x38;
	[tilespmem:$0x1E800] =	vst v63  }
0x4f: {  	_ =	swait.ge @!p1 [sflag:s30], $0x1400  }
0x50: {  	p2 =	slt.u32 s26, $0x14;
	s29 =	sadd.s32 $0x1400, s28;
	[sflag:s30] =	ssyncset.done @!p1 $0x0  }
0x51: {  	s28 =	smov.u32 @p2 s29;
	[sflag:s30] =	ssyncadd.s32 @!p1 $0xFFFFEC00  }
0x52: {  	[tilespmem:s17], [sflag:$0x1] =	stream.indirect.gather [hbm4b:s4+s16], $0x80, s28, s16, $0xb8;
	[tilespmem:$0x1E800] =	vst v63  }
0x53: {  	s29 =	sor.u32 $0x80, s28  }
0x54: {  	[tilespmem:s18], [sflag:$0x2] =	stream.indirect.gather [hbm4b:s4+s16], $0x80, s29, s16, $0xb8;
	[tilespmem:$0x1E800] =	vst v63  }
0x55: {  	_ =	swait.ge [sflag:s23], $0x4000  }
0x56: {  	[sflag:s23] =	ssyncset.done $0x0  }
.Ltmp0:
0x57: {  	s29 =	sadd.s32 $0x1400, s28;
	[sflag:s23] =	ssyncadd.s32 $0xFFFFC000;
	(pc) =	sbr.rel @p0 .LBB2_2-.Ltmp0, $4  }
0x58: {  	[spmem:s2] =	stream.indirect.scatter.add.f32 [tilespmem:s17], [sflag:$0x3], $0x80, s29, s16, $0xb8;
	[tilespmem:$0x1E800] =	vst v63  }
0x59: {  	_ =	swait.ge [sflag:s19], $0x4000  }
0x5a: {  	[sflag:s19] =	ssyncset.done $0x0  }
0x5b: {  	s26 =	sadd.s32 $0x1, s26;
	s28 =	sadd.s32 $0x1480, s28;
	[sflag:s19] =	ssyncadd.s32 $0xFFFFC000  }
0x5c: {  	[spmem:s2] =	stream.indirect.scatter.add.f32 [tilespmem:s18], [sflag:$0x4], $0x80, s28, s16, $0xb8;
	[tilespmem:$0x1E800] =	vst v63  }
0x5d: {  	_ =	swait.ge [sflag:s21], $0x4000  }
0x5e: {  	[sflag:s21] =	ssyncset.done $0x0  }
0x5f: {  	[sflag:s21] =	ssyncadd.s32 $0xFFFFC000  }
0x60: {  	_ =	swait.ge [sflag:s22], $0x4000  }
0x61: {  	s24 =	sadd.s32 $0x1, s24;
	[sflag:s22] =	ssyncset.done $0x0  }
0x62: {  	p0 =	sne.s32 s24, s12;
	[sflag:s22] =	ssyncadd.s32 $0xFFFFC000  }
.Ltmp1:
0x63: {  	[bflag:$0x0] =	sbarrier.arrive $0xFFFF;
	(pc) =	sbr.rel @p0 .LBB2_1-.Ltmp1, $4  }
0x64: {  	[hbm:s11], [sflag:s6] =	dma.local [spmem:s13], $0x2800  }
0x65: {  	_ =	swait.ge [sflag:s14], $0x2800  }
0x66: {  	[sflag:s14] =	ssyncset.done $0x0  }
0x67: {  	[sflag:s14] =	ssyncadd.s32 $0xFFFFD800  }
0x68: {  	_ =	sfence.sel $0x180000  }
0x69: {  	[bflag:$0x0] =	sbarrier.arrive $0xFFFF  }
0x6a: {  	p0 =	sne.s32 s0, $0x0;
	_ =	strace $0x9000004D  }
0x6b: {  	s0 =	sadd.s32 @!p0 $0x100000, s1;
	[bflag:$0x2] =	sbarrier.arrive $0xFFFF  }
0x6c: {  	[sflag:s0] =	ssyncadd.tile.s32 @!p0 $0x1;
	_ =	shalt  }
.Lfunc_end2:
_tile_overlayer_lowered:
.L_overlay_start_2:
0x6d: {  	(tag) =	ssettag $0x2  }
0x6e: {  	s0 =	rddreg [dreg:$0x0];
	s2 =	stileid.u32  }
0x6f: {  	s1 =	rddreg [dreg:$0x1];
	p0 =	sne.s32 s2, $0x0  }
0x70: {  	s3 =	rddreg [dreg:$0x2];
	[bflag:$0x3] =	sbarrier.arrive $0xFFFF;
	s2 =	simm.s32 @!p0 $0x1C05  }
0x71: {  	[timem:s3], [sflag:s2] =	dma.local @!p0 [hbm:s0], s1  }
0x72: {  	s0 =	simm.s32 @!p0 $0x5  }
0x73: {  	_ =	swait.ge @!p0 [sflag:s0], s1  }
0x74: {  	s1 =	ssub.s32 @!p0 $0x0, s1;
	[sflag:s0] =	ssyncset.done @!p0 $0x0  }
0x75: {  	[sflag:s0] =	ssyncadd.s32 @!p0 s1  }
0x76: {  	[bflag:$0x3] =	sbarrier.arrive $0xFFFF  }
0x77: {  	_ =	shalt  }

// kernel: kernel.8.cloned.1.call-start
scs
__scs_entry_jumppad:
0x0: {  	(pc) =	sbr.rel $0x88, $3  }
0x1: {  	(tag) =	ssettag $0x0;
	lr =	simm.s32 $0x1  }
0x2: {  	[smem:$0x3F98] =	sst lr;
	_ =	strace $0xD0000000  }
0x3: {  	_ = 	snop  }
0x4: {  	_ = 	snop  }
0x5: {  	_ = 	snop  }
0x6: {  	_ = 	snop  }
0x7: {  	_ = 	snop  }
__scs_overlays_trampoline_lowered:
0x8: {  	[smem:$0x3FA7] =	sst s0  }
0x9: {  	[smem:$0x3FA8] =	sst s1  }
0xa: {  	[smem:$0x3FA9] =	sst s2  }
0xb: {  	[smem:$0x3FAA] =	sst s3  }
0xc: {  	[smem:$0x3FAB] =	sst s4  }
0xd: {  	[smem:$0x3FAC] =	sst s5  }
0xe: {  	[smem:$0x3FAD] =	sst s6  }
0xf: {  	[smem:$0x3FAE] =	sst s7  }
0x10: {  	[smem:$0x3FAF] =	sst s8  }
0x11: {  	[smem:$0x3FB0] =	sst s9;
	s0 =	simm.s32 @!p0 $0x0  }
0x12: {  	s1 =	sld [smem:$0x3F96];
	s0 =	simm.s32 @p0 $0x1  }
0x13: {  	[smem:$0x3FB1] =	sst s0;
	s0 =	simm.s32 @!p1 $0x0  }
0x14: {  	s2 =	sld [smem:$0x3F95];
	s0 =	simm.s32 @p1 $0x1  }
0x15: {  	[smem:$0x3FB2] =	sst s0;
	s0 =	simm.s32 @!p2 $0x0  }
0x16: {  	s3 =	sld [smem:$0x3FDB];
	s0 =	simm.s32 @p2 $0x1  }
0x17: {  	s4 =	simm.s32 $0x1BF5;
	[smem:$0x3FB4] =	sst s0  }
0x18: {  	s0 =	sld [smem:$0x3F97];
	_ =	swait.ge [sflag:s4], $0x0  }
0x19: {  	s7 =	sld [smem:$0x3F98]  }
0x1a: {  	s8 =	sadd.s32 $0xFFFFE003, lr  }
0x1b: {  	s9 =	sadd.s32 $0xFFFFFEF7, lr;
	s5 =	simm.s32 $0xFFFFFFFF;
	p2 =	slt.u32 s8, $0xFFFFF086  }
0x1c: {  	p1 =	slt.u32 s9, $0xF7A;
	s5 =	simm.s32 @!p2 $0x0  }
0x1d: {  	s5 =	simm.s32 @p1 $0x1;
	p0 =	seq.s32 s7, s2  }
0x1e: {  	s7 =	smul.u32 @!p0 $0xF7A, s2;
	p2 =	seq.s32 @!p0 s5, $0x0  }
0x1f: {  	s9 =	smul.u32 $0xF7A, s1;
	s8 =	simm.s32 @!p0 $0x1BF5;
	p2 =	por !p2, p0  }
0x20: {  	[sflag:s8] =	ssyncset.s32 @!p0 $0xFFFFF086;
	s6 =	sadd.s32 @!p0 s3, s7;
	s7 =	simm.s32 @!p0 $0x108  }
0x21: {  	s3 =	sadd.s32 s3, s9;
	s6 =	sadd.s32 @!p0 $0x88, s6;
	s7 =	simm.s32 @p2 $0x1082  }
0x22: {  	[simem:s7], [sflag:s8] =	dma.local @!p0 [hbm:s6], $0xF7A  }
0x23: {  	s9 =	sor.u32 $0xD0000000, s2;
	s6 =	simm.s32 $0x108;
	_ =	swait.ge @!p0 [sflag:s8], $0x0  }
0x24: {  	s3 =	sadd.s32 $0x88, s3;
	s6 =	simm.s32 @!p1 $0x1082;
	[sflag:s4] =	ssyncset.s32 $0xFFFFF086  }
0x25: {  	[simem:s6], [sflag:s4] =	dma.local [hbm:s3], $0xF7A  }
0x26: {  	[smem:$0x3F98] =	sst s1;
	(tag) =	ssettag s2;
	_ =	strace s9  }
0x27: {  	s1 =	sld [smem:$0x3FA8]  }
0x28: {  	s2 =	sld [smem:$0x3FA9]  }
0x29: {  	s4 =	sld [smem:$0x3FAB]  }
0x2a: {  	p0 =	seq.s32 s5, $0x0;
	s5 =	sld [smem:$0x3FAC]  }
0x2b: {  	s6 =	sld [smem:$0x3FAD]  }
0x2c: {  	s7 =	sld [smem:$0x3FAE]  }
0x2d: {  	s3 =	simm.s32 $0x108;
	s8 =	sld [smem:$0x3FAF]  }
0x2e: {  	s3 =	simm.s32 @!p0 $0x1082;
	s9 =	sld [smem:$0x3FB0]  }
0x2f: {  	lr =	sadd.s32 s0, s3;
	s0 =	sld [smem:$0x3FA7]  }
0x30: {  	s3 =	sld [smem:$0x3FAA]  }
0x31: {  	[smem:$0x3FB3] =	sst s10  }
0x32: {  	s10 =	sld [smem:$0x3FB1];
	_ =	sdelay $0x3  }
0x33: {  	p0 =	seq.s32 s10, $0x1;
	s10 =	sld [smem:$0x3FB3];
	_ =	sdelay $0x3  }
0x34: {  	[smem:$0x3FB3] =	sst s10  }
0x35: {  	s10 =	sld [smem:$0x3FB2];
	_ =	sdelay $0x3  }
0x36: {  	p1 =	seq.s32 s10, $0x1;
	s10 =	sld [smem:$0x3FB3];
	_ =	sdelay $0x3  }
0x37: {  	[smem:$0x3FB3] =	sst s10  }
0x38: {  	s10 =	sld [smem:$0x3FB4]  }
0x39: {  	_ = 	snop;
	(pc) =	sbr.ind lr, $3  }
0x3a: {  	_ = 	snop  }
0x3b: {  	_ = 	snop  }
0x3c: {  	p2 =	seq.s32 s10, $0x1;
	s10 =	sld [smem:$0x3FB3]  }
0x3d: {  	_ =	shalt  }
0x3e: {  	_ =	shalt  }
0x3f: {  	_ =	shalt  }
0x40: {  	_ =	shalt  }
0x41: {  	_ =	shalt  }
0x42: {  	_ =	shalt  }
0x43: {  	_ =	shalt  }
0x44: {  	_ =	shalt  }
0x45: {  	_ =	shalt  }
0x46: {  	_ =	shalt  }
0x47: {  	_ =	shalt  }
0x48: {  	_ =	shalt  }
0x49: {  	_ =	shalt  }
0x4a: {  	_ =	shalt  }
0x4b: {  	_ =	shalt  }
0x4c: {  	_ =	shalt  }
0x4d: {  	_ =	shalt  }
0x4e: {  	_ =	shalt  }
0x4f: {  	_ =	shalt  }
0x50: {  	_ =	shalt  }
0x51: {  	_ =	shalt  }
0x52: {  	_ =	shalt  }
0x53: {  	_ =	shalt  }
0x54: {  	_ =	shalt  }
0x55: {  	_ =	shalt  }
0x56: {  	_ =	shalt  }
0x57: {  	_ =	shalt  }
0x58: {  	_ =	shalt  }
0x59: {  	_ =	shalt  }
0x5a: {  	_ =	shalt  }
0x5b: {  	_ =	shalt  }
0x5c: {  	_ =	shalt  }
0x5d: {  	_ =	shalt  }
0x5e: {  	_ =	shalt  }
0x5f: {  	_ =	shalt  }
0x60: {  	_ =	shalt  }
0x61: {  	_ =	shalt  }
0x62: {  	_ =	shalt  }
0x63: {  	_ =	shalt  }
0x64: {  	_ =	shalt  }
0x65: {  	_ =	shalt  }
0x66: {  	_ =	shalt  }
0x67: {  	_ =	shalt  }
0x68: {  	_ =	shalt  }
0x69: {  	_ =	shalt  }
0x6a: {  	_ =	shalt  }
0x6b: {  	_ =	shalt  }
0x6c: {  	_ =	shalt  }
0x6d: {  	_ =	shalt  }
0x6e: {  	_ =	shalt  }
0x6f: {  	_ =	shalt  }
0x70: {  	_ =	shalt  }
0x71: {  	_ =	shalt  }
0x72: {  	_ =	shalt  }
0x73: {  	_ =	shalt  }
0x74: {  	_ =	shalt  }
0x75: {  	_ =	shalt  }
0x76: {  	_ =	shalt  }
0x77: {  	_ =	shalt  }
0x78: {  	_ =	shalt  }
0x79: {  	_ =	shalt  }
0x7a: {  	_ =	shalt  }
0x7b: {  	_ =	shalt  }
0x7c: {  	_ =	shalt  }
0x7d: {  	_ =	shalt  }
0x7e: {  	_ =	shalt  }
0x7f: {  	_ =	shalt  }
0x80: {  	_ =	shalt  }
0x81: {  	_ =	shalt  }
0x82: {  	_ =	shalt  }
0x83: {  	_ =	shalt  }
0x84: {  	_ =	shalt  }
0x85: {  	_ =	shalt  }
0x86: {  	_ =	shalt  }
0x87: {  	_ =	shalt  }
.Lfunc_end0:
.L_simem_size_0:
called_computation_lowered:
.L_overlay_start_0:
0x88: {  	s2 =	sld [smem:$0x3FD9]  }
0x89: {  	s3 =	sld [smem:$0x3FFE];
	_ =	sdelay $0x1  }
0x8a: {  	s1 =	srdreg.scid  }
0x8b: {  	s0 =	sand.u32 $0x1, s1  }
0x8c: {  	s16 =	sshll.u32 s0, $0xA;
	s2 =	sadd.s32 s3, s2  }
0x8d: {  	s2 =	sadd.s32 s2, s16  }
0x8e: {  	[smem:$0x3FBF] =	sst s2  }
0x8f: {  	_ = 	snop  }
0x90: {  	(tm) =	ssettm $0x1  }
0x91: {  	s17 =	sld [smem:$0x3FFB];
	_ =	sdelay $0x3  }
0x92: {  	_ =	strace s17  }
0x93: {  	s2 =	sld [smem:$0x3FFC];
	_ =	sdelay $0x3  }
0x94: {  	_ =	strace s2  }
0x95: {  	s2 =	sld [smem:$0x3FFD];
	_ =	sdelay $0x3  }
0x96: {  	_ =	strace s2  }
0x97: {  	_ =	strace $0x8FFFFFFF  }
0x98: {  	s18 =	sld [smem:$0x3FDB];
	_ =	sdelay $0x1  }
0x99: {  	s19 =	simm.s32 $_scs_section_size  }
0x9a: {  	s4 =	simm.s32 $_size__tile_overlayer_lowered;
	s5 =	simm.s32 $_tile_overlayer_lowered  }
0x9b: {  	s22 =	simm.s32 $0x1BFF;
	s21 =	sshll.u32 s5, $0x1;
	s2 =	sadd.s32 s19, s18  }
0x9c: {  	s6 =	simm.s32 $0x0;
	s20 =	sshll.u32 s4, $0x1;
	s4 =	sadd.s32 s21, s2  }
0x9d: {  	[timem:s6], [sflag:s22] =	dma.local [hbm:s4], s20  }
0x9e: {  	_ =	swait.ge [sflag:s22], s20  }
0x9f: {  	s3 =	ssub.s32 $0x0, s20;
	[sflag:s22] =	ssyncset.done $0x0  }
0xa0: {  	[sflag:s22] =	ssyncadd.s32 s3;
	_ =	sdelay $0x1  }
0xa1: {  	s23 =	simm.s32 $0x1B8B  }
0xa2: {  	_ =	swait.ge [sflag:s23], $0x1  }
0xa3: {  	[sflag:s23] =	ssyncset.done $0x0  }
0xa4: {  	s25 =	simm.s32 $0x1B8E;
	s24 =	sld [smem:$0x3FFE];
	[sflag:s23] =	ssyncadd.s32 $0xFFFFFFFF  }
0xa5: {  	s26 =	simm.s32 $execute0_lowered;
	[smem:$0x3FD2] =	sst s25  }
0xa6: {  	s4 =	sshll.u32 s26, $0x1;
	_ =	strace $0x80000046;
	[dreg:$0x1] =	wrdreg $0xFFFFFFFF  }
0xa7: {  	s28 =	simm.s32 $_size_execute0_lowered;
	s2 =	sadd.s32 s2, s4;
	[dreg:$0x0] =	wrdreg $0x0  }
0xa8: {  	s4 =	sshll.u32 s28, $0x1;
	[dreg:$0x2] =	wrdreg s2  }
0xa9: {  	[dreg:$0x3] =	wrdreg s4  }
0xaa: {  	[dreg:$0x4] =	wrdreg $0xC0  }
0xab: {  	_ =	task [dreg:s6], $0x5FFFF  }
0xac: {  	[dreg:$0x1] =	wrdreg $0xFFFFFFFF  }
0xad: {  	[dreg:$0x0] =	wrdreg $0x60  }
0xae: {  	[dreg:$0x2] =	wrdreg s24  }
0xaf: {  	[dreg:$0x3] =	wrdreg $0x90000  }
0xb0: {  	[dreg:$0x4] =	wrdreg $0x9  }
0xb1: {  	_ =	task.clear_ibuf [dreg:s6], $0x5FFFF;
	_ =	strace $0x90000046  }
0xb2: {  	s29 =	simm.s32 $0x9;
	_ =	strace $0x80000048  }
0xb3: {  	_ =	swait.ge [sflag:s29], $0x1  }
0xb4: {  	[sflag:s29] =	ssyncadd.s32 $0xFFFFFFFF  }
0xb5: {  	_ =	strace $0x90000048  }
0xb6: {  	_ =	sfence  }
0xb7: {  	s30 =	sld [smem:$0x0];
	_ =	sdelay $0x2  }
0xb8: {  	s31 =	sshll.u32 s1, $0xD;
	s1 =	sshrl.u32 s1, $0x2  }
0xb9: {  	s3 =	sand.u32 $0x4000, s31;
	s1 =	sadd.s32 s1, s30  }
0xba: {  	s0 =	sor.u32 s3, s0;
	s1 =	sshll.u32 s1, $0x11  }
0xbb: {  	s0 =	sor.u32 s1, s0  }
0xbc: {  	s0 =	sadd.s32 $0x8F2B, s0  }
0xbd: {  	[sflag:s0] =	ssyncadd.remote.s32 $0x1  }
0xbe: {  	_ =	sfence.sel $0xFFFF  }
0xbf: {  	[dreg:$0x0] =	wrdreg $0xFFFFFFFF;
	(pc) =	sbr.abs _section_cstart, $3  }
0xc0: {  	[dreg:$0x1] =	wrdreg $0xFFFFFFFF  }
0xc1: {  	_ =	task.clear_ibuf [dreg:s6], $0x2FFFF;
	_ =	strace $0x9FFFFFFF  }
0xc2: {  	(tm) =	ssettm $0x7FFFFFFF  }
0xc3: {  	_ =	shalt  }
tec
execute0_lowered:
.L_overlay_start_1:
0x0: {  	(tag) =	ssettag $0x1  }
0x1: {  	s0 =	srdreg.scid;
	s5 =	rddreg [dreg:$0x0]  }
0x2: {  	s2 =	rddreg [dreg:$0x1];
	s6 =	sand.u32 $0x1, s0  }
0x3: {  	s0 =	stileid.u32;
	s4 =	smul.u32 $0xA000, s6  }
0x4: {  	s1 =	rddreg [dreg:$0x2];
	s3 =	simm.s32 $0x0;
	s7 =	smul.u32 $0xA00, s0  }
0x5: {  	s14 =	simm.s32 $0x1;
	[smem:$0x7FF] =	sst s3;
	s8 =	smul.u32 $0x14000, s0  }
0x6: {  	s15 =	simm.s32 $0x0;
	s26 =	smul.u32 $0x140000, s6;
	_ =	strace $0x80000047  }
0x7: {  	s6 =	ssub.s32 $0x2, s6;
	s28 =	smul.u32 $0x50000, s0;
	s31 =	sshll.u32 s0, $0x6  }
0x8: {  	s29 =	sshrl.u32 s6, $0x1;
	s4 =	sadd.s32 s7, s4;
	s10 =	sshrl.u32 s8, $0x3  }
0x9: {  	s7 =	sadd.s32 s8, s26;
	s12 =	ssub.s32 s6, s29;
	s30 =	sshrl.u32 s28, $0x2  }
0xa: {  	s6 =	sor.u32 $0x1C02, s31;
	s9 =	sadd.s32 s4, s5;
	s4 =	sadd.s32 $0x3F000, s5  }
0xb: {  	s7 =	sshrl.u32 s7, $0x3;
	s10 =	sadd.s32 s10, s5;
	s13 =	sadd.s32 s30, s2  }
0xc: {  	s11 =	sadd.s32 s7, s5;
	s5 =	sadd.s32 $0x17000, s10;
	s7 =	sadd.s32 $0x3000, s9  }
0xd: {  	s9 =	smax.u32 s12, $0x1;
	s10 =	sshrl.u32 s13, $0x3;
	s12 =	simm.s32 $0x5000  }
0xe: {  	s13 =	simm.s32 $0x80;
	s8 =	sadd.s32 $0x3F800, s11;
	s11 =	simm.s32 $0x2  }
.LBB2_1:
0xf: {  	[spmem:s10], [sflag:s6] =	dma.local [hbm:s5], $0x2800  }
0x10: {  	_ =	swait.ge [sflag:s11], $0x2800  }
0x11: {  	[sflag:s11] =	ssyncset.done $0x0  }
0x12: {  	[sflag:s11] =	ssyncadd.s32 $0xFFFFD800  }
0x13: {  	[tilespmem:s12], [sflag:$0x2] =	stream.linear.gather [hbm4b:s4+s3], $0x4000, $0x38;
	[tilespmem:$0x1D000] =	vst v63  }
0x14: {  	_ =	swait.ge [sflag:s11], $0x4000  }
0x15: {  	[sflag:s11] =	ssyncset.done $0x0  }
0x16: {  	[sflag:s11] =	ssyncadd.s32 $0xFFFFC000  }
0x17: {  	[tilespmem:s3], [sflag:$0x2] =	stream.linear.gather [hbm4b:s7+s3], $0x5000, $0x38;
	[tilespmem:$0x1D000] =	vst v63  }
0x18: {  	_ =	swait.ge [sflag:s11], $0x5000  }
0x19: {  	[sflag:s11] =	ssyncset.done $0x0  }
0x1a: {  	[sflag:s11] =	ssyncadd.s32 $0xFFFFB000  }
0x1b: {  	s16 =	simm.s32 $0x0;
	[bflag:$0x0] =	sbarrier.arrive $0xFFFF  }
0x1c: {  	[spmem:s2] =	stream.indirect.scatter.add.f32 [tilespmem:s12], [sflag:$0x1], $0x80, s16, s13, $0xb8;
	[tilespmem:$0x1D000] =	vst v63  }
0x1d: {  	s31 =	simm.s32 $0x80  }
0x1e: {  	[spmem:s2] =	stream.indirect.scatter.add.f32 [tilespmem:s12], [sflag:$0x1], $0x80, s31, s13, $0xb8;
	[tilespmem:$0x1D000] =	vst v63  }
0x1f: {  	s17 =	simm.s32 $0x100  }
0x20: {  	[spmem:s2] =	stream.indirect.scatter.add.f32 [tilespmem:s12], [sflag:$0x1], $0x80, s17, s13, $0xb8;
	[tilespmem:$0x1D000] =	vst v63  }
0x21: {  	s18 =	simm.s32 $0x180  }
0x22: {  	[spmem:s2] =	stream.indirect.scatter.add.f32 [tilespmem:s12], [sflag:$0x1], $0x80, s18, s13, $0xb8;
	[tilespmem:$0x1D000] =	vst v63  }
0x23: {  	s19 =	simm.s32 $0x200  }
0x24: {  	[spmem:s2] =	stream.indirect.scatter.add.f32 [tilespmem:s12], [sflag:$0x1], $0x80, s19, s13, $0xb8;
	[tilespmem:$0x1D000] =	vst v63  }
0x25: {  	s20 =	simm.s32 $0x280  }
0x26: {  	[spmem:s2] =	stream.indirect.scatter.add.f32 [tilespmem:s12], [sflag:$0x1], $0x80, s20, s13, $0xb8;
	[tilespmem:$0x1D000] =	vst v63  }
0x27: {  	s21 =	simm.s32 $0x300  }
0x28: {  	[spmem:s2] =	stream.indirect.scatter.add.f32 [tilespmem:s12], [sflag:$0x1], $0x80, s21, s13, $0xb8;
	[tilespmem:$0x1D000] =	vst v63  }
0x29: {  	s22 =	simm.s32 $0x380  }
0x2a: {  	[spmem:s2] =	stream.indirect.scatter.add.f32 [tilespmem:s12], [sflag:$0x1], $0x80, s22, s13, $0xb8;
	[tilespmem:$0x1D000] =	vst v63  }
0x2b: {  	s23 =	simm.s32 $0x400  }
0x2c: {  	[spmem:s2] =	stream.indirect.scatter.add.f32 [tilespmem:s12], [sflag:$0x1], $0x80, s23, s13, $0xb8;
	[tilespmem:$0x1D000] =	vst v63  }
0x2d: {  	s24 =	simm.s32 $0x480  }
0x2e: {  	[spmem:s2] =	stream.indirect.scatter.add.f32 [tilespmem:s12], [sflag:$0x1], $0x80, s24, s13, $0xb8;
	[tilespmem:$0x1D000] =	vst v63  }
0x2f: {  	s25 =	simm.s32 $0x500  }
0x30: {  	[spmem:s2] =	stream.indirect.scatter.add.f32 [tilespmem:s12], [sflag:$0x1], $0x80, s25, s13, $0xb8;
	[tilespmem:$0x1D000] =	vst v63  }
0x31: {  	s26 =	simm.s32 $0x580  }
0x32: {  	[spmem:s2] =	stream.indirect.scatter.add.f32 [tilespmem:s12], [sflag:$0x1], $0x80, s26, s13, $0xb8;
	[tilespmem:$0x1D000] =	vst v63  }
0x33: {  	s28 =	simm.s32 $0x600  }
0x34: {  	[spmem:s2] =	stream.indirect.scatter.add.f32 [tilespmem:s12], [sflag:$0x1], $0x80, s28, s13, $0xb8;
	[tilespmem:$0x1D000] =	vst v63  }
0x35: {  	s29 =	simm.s32 $0x680  }
0x36: {  	[spmem:s2] =	stream.indirect.scatter.add.f32 [tilespmem:s12], [sflag:$0x1], $0x80, s29, s13, $0xb8;
	[tilespmem:$0x1D000] =	vst v63  }
0x37: {  	s30 =	simm.s32 $0x700  }
0x38: {  	[spmem:s2] =	stream.indirect.scatter.add.f32 [tilespmem:s12], [sflag:$0x1], $0x80, s30, s13, $0xb8;
	[tilespmem:$0x1D000] =	vst v63  }
0x39: {  	s31 =	simm.s32 $0x780  }
0x3a: {  	[spmem:s2] =	stream.indirect.scatter.add.f32 [tilespmem:s12], [sflag:$0x1], $0x80, s31, s13, $0xb8;
	[tilespmem:$0x1D000] =	vst v63  }
0x3b: {  	_ =	swait.ge [sflag:s14], $0x4000  }
0x3c: {  	[sflag:s14] =	ssyncset.done $0x0  }
0x3d: {  	[sflag:s14] =	ssyncadd.s32 $0xFFFFC000  }
0x3e: {  	_ =	swait.ge [sflag:s14], $0x4000  }
0x3f: {  	[sflag:s14] =	ssyncset.done $0x0  }
0x40: {  	[sflag:s14] =	ssyncadd.s32 $0xFFFFC000  }
0x41: {  	_ =	swait.ge [sflag:s14], $0x4000  }
0x42: {  	[sflag:s14] =	ssyncset.done $0x0  }
0x43: {  	[sflag:s14] =	ssyncadd.s32 $0xFFFFC000  }
0x44: {  	_ =	swait.ge [sflag:s14], $0x4000  }
0x45: {  	[sflag:s14] =	ssyncset.done $0x0  }
0x46: {  	[sflag:s14] =	ssyncadd.s32 $0xFFFFC000  }
0x47: {  	_ =	swait.ge [sflag:s14], $0x4000  }
0x48: {  	[sflag:s14] =	ssyncset.done $0x0  }
0x49: {  	[sflag:s14] =	ssyncadd.s32 $0xFFFFC000  }
0x4a: {  	_ =	swait.ge [sflag:s14], $0x4000  }
0x4b: {  	[sflag:s14] =	ssyncset.done $0x0  }
0x4c: {  	[sflag:s14] =	ssyncadd.s32 $0xFFFFC000  }
0x4d: {  	_ =	swait.ge [sflag:s14], $0x4000  }
0x4e: {  	[sflag:s14] =	ssyncset.done $0x0  }
0x4f: {  	[sflag:s14] =	ssyncadd.s32 $0xFFFFC000  }
0x50: {  	_ =	swait.ge [sflag:s14], $0x4000  }
0x51: {  	[sflag:s14] =	ssyncset.done $0x0  }
0x52: {  	[sflag:s14] =	ssyncadd.s32 $0xFFFFC000  }
0x53: {  	_ =	swait.ge [sflag:s14], $0x4000  }
0x54: {  	[sflag:s14] =	ssyncset.done $0x0  }
0x55: {  	[sflag:s14] =	ssyncadd.s32 $0xFFFFC000  }
0x56: {  	_ =	swait.ge [sflag:s14], $0x4000  }
0x57: {  	[sflag:s14] =	ssyncset.done $0x0  }
0x58: {  	[sflag:s14] =	ssyncadd.s32 $0xFFFFC000  }
0x59: {  	_ =	swait.ge [sflag:s14], $0x4000  }
0x5a: {  	[sflag:s14] =	ssyncset.done $0x0  }
0x5b: {  	[sflag:s14] =	ssyncadd.s32 $0xFFFFC000  }
0x5c: {  	_ =	swait.ge [sflag:s14], $0x4000  }
0x5d: {  	[sflag:s14] =	ssyncset.done $0x0  }
0x5e: {  	[sflag:s14] =	ssyncadd.s32 $0xFFFFC000  }
0x5f: {  	_ =	swait.ge [sflag:s14], $0x4000  }
0x60: {  	[sflag:s14] =	ssyncset.done $0x0  }
0x61: {  	[sflag:s14] =	ssyncadd.s32 $0xFFFFC000  }
0x62: {  	_ =	swait.ge [sflag:s14], $0x4000  }
0x63: {  	[sflag:s14] =	ssyncset.done $0x0  }
0x64: {  	[sflag:s14] =	ssyncadd.s32 $0xFFFFC000  }
0x65: {  	_ =	swait.ge [sflag:s14], $0x4000  }
0x66: {  	[sflag:s14] =	ssyncset.done $0x0  }
0x67: {  	[sflag:s14] =	ssyncadd.s32 $0xFFFFC000  }
0x68: {  	_ =	swait.ge [sflag:s14], $0x4000  }
0x69: {  	s16 =	simm.s32 $0x2000;
	s19 =	simm.s32 $0x4000;
	[sflag:s14] =	ssyncset.done $0x0  }
.LBB2_2:
0x6a: {  	s18 =	sshra.s32 s16, $0x2  }
0x6b: {  	[sflag:s14] =	ssyncadd.s32 $0xFFFFC000;
	s16 =	smov.u32 s19;
	s17 =	sadd.s32 $0x2000, s19  }
0x6c: {  	[spmem:s2] =	stream.indirect.scatter.add.f32 [tilespmem:s12], [sflag:$0x1], $0x80, s18, s13, $0xb8;
	[tilespmem:$0x1D000] =	vst v63  }
0x6d: {  	p0 =	sne.s32 s19, $0x12000;
	s19 =	sadd.s32 $0x80, s18  }
0x6e: {  	[spmem:s2] =	stream.indirect.scatter.add.f32 [tilespmem:s12], [sflag:$0x1], $0x80, s19, s13, $0xb8;
	[tilespmem:$0x1D000] =	vst v63  }
0x6f: {  	s19 =	sadd.s32 $0x100, s18  }
0x70: {  	[spmem:s2] =	stream.indirect.scatter.add.f32 [tilespmem:s12], [sflag:$0x1], $0x80, s19, s13, $0xb8;
	[tilespmem:$0x1D000] =	vst v63  }
0x71: {  	s19 =	sadd.s32 $0x180, s18  }
0x72: {  	[spmem:s2] =	stream.indirect.scatter.add.f32 [tilespmem:s12], [sflag:$0x1], $0x80, s19, s13, $0xb8;
	[tilespmem:$0x1D000] =	vst v63  }
0x73: {  	s19 =	sadd.s32 $0x200, s18  }
0x74: {  	[spmem:s2] =	stream.indirect.scatter.add.f32 [tilespmem:s12], [sflag:$0x1], $0x80, s19, s13, $0xb8;
	[tilespmem:$0x1D000] =	vst v63  }
0x75: {  	s19 =	sadd.s32 $0x280, s18  }
0x76: {  	[spmem:s2] =	stream.indirect.scatter.add.f32 [tilespmem:s12], [sflag:$0x1], $0x80, s19, s13, $0xb8;
	[tilespmem:$0x1D000] =	vst v63  }
0x77: {  	s19 =	sadd.s32 $0x300, s18  }
0x78: {  	[spmem:s2] =	stream.indirect.scatter.add.f32 [tilespmem:s12], [sflag:$0x1], $0x80, s19, s13, $0xb8;
	[tilespmem:$0x1D000] =	vst v63  }
0x79: {  	s19 =	sadd.s32 $0x380, s18  }
0x7a: {  	[spmem:s2] =	stream.indirect.scatter.add.f32 [tilespmem:s12], [sflag:$0x1], $0x80, s19, s13, $0xb8;
	[tilespmem:$0x1D000] =	vst v63  }
0x7b: {  	s19 =	sadd.s32 $0x400, s18  }
0x7c: {  	[spmem:s2] =	stream.indirect.scatter.add.f32 [tilespmem:s12], [sflag:$0x1], $0x80, s19, s13, $0xb8;
	[tilespmem:$0x1D000] =	vst v63  }
0x7d: {  	s19 =	sadd.s32 $0x480, s18  }
0x7e: {  	[spmem:s2] =	stream.indirect.scatter.add.f32 [tilespmem:s12], [sflag:$0x1], $0x80, s19, s13, $0xb8;
	[tilespmem:$0x1D000] =	vst v63  }
0x7f: {  	s19 =	sadd.s32 $0x500, s18  }
0x80: {  	[spmem:s2] =	stream.indirect.scatter.add.f32 [tilespmem:s12], [sflag:$0x1], $0x80, s19, s13, $0xb8;
	[tilespmem:$0x1D000] =	vst v63  }
0x81: {  	s19 =	sadd.s32 $0x580, s18  }
0x82: {  	[spmem:s2] =	stream.indirect.scatter.add.f32 [tilespmem:s12], [sflag:$0x1], $0x80, s19, s13, $0xb8;
	[tilespmem:$0x1D000] =	vst v63  }
0x83: {  	s19 =	sadd.s32 $0x600, s18  }
0x84: {  	[spmem:s2] =	stream.indirect.scatter.add.f32 [tilespmem:s12], [sflag:$0x1], $0x80, s19, s13, $0xb8;
	[tilespmem:$0x1D000] =	vst v63  }
0x85: {  	s19 =	sadd.s32 $0x680, s18  }
0x86: {  	[spmem:s2] =	stream.indirect.scatter.add.f32 [tilespmem:s12], [sflag:$0x1], $0x80, s19, s13, $0xb8;
	[tilespmem:$0x1D000] =	vst v63  }
0x87: {  	s19 =	sadd.s32 $0x700, s18  }
0x88: {  	[spmem:s2] =	stream.indirect.scatter.add.f32 [tilespmem:s12], [sflag:$0x1], $0x80, s19, s13, $0xb8;
	[tilespmem:$0x1D000] =	vst v63  }
0x89: {  	s18 =	sadd.s32 $0x780, s18  }
0x8a: {  	[spmem:s2] =	stream.indirect.scatter.add.f32 [tilespmem:s12], [sflag:$0x1], $0x80, s18, s13, $0xb8;
	[tilespmem:$0x1D000] =	vst v63  }
0x8b: {  	_ =	swait.ge [sflag:s14], $0x4000  }
0x8c: {  	[sflag:s14] =	ssyncset.done $0x0  }
0x8d: {  	[sflag:s14] =	ssyncadd.s32 $0xFFFFC000  }
0x8e: {  	_ =	swait.ge [sflag:s14], $0x4000  }
0x8f: {  	[sflag:s14] =	ssyncset.done $0x0  }
0x90: {  	[sflag:s14] =	ssyncadd.s32 $0xFFFFC000  }
0x91: {  	_ =	swait.ge [sflag:s14], $0x4000  }
0x92: {  	[sflag:s14] =	ssyncset.done $0x0  }
0x93: {  	[sflag:s14] =	ssyncadd.s32 $0xFFFFC000  }
0x94: {  	_ =	swait.ge [sflag:s14], $0x4000  }
0x95: {  	[sflag:s14] =	ssyncset.done $0x0  }
0x96: {  	[sflag:s14] =	ssyncadd.s32 $0xFFFFC000  }
0x97: {  	_ =	swait.ge [sflag:s14], $0x4000  }
0x98: {  	[sflag:s14] =	ssyncset.done $0x0  }
0x99: {  	[sflag:s14] =	ssyncadd.s32 $0xFFFFC000  }
0x9a: {  	_ =	swait.ge [sflag:s14], $0x4000  }
0x9b: {  	[sflag:s14] =	ssyncset.done $0x0  }
0x9c: {  	[sflag:s14] =	ssyncadd.s32 $0xFFFFC000  }
0x9d: {  	_ =	swait.ge [sflag:s14], $0x4000  }
0x9e: {  	[sflag:s14] =	ssyncset.done $0x0  }
0x9f: {  	[sflag:s14] =	ssyncadd.s32 $0xFFFFC000  }
0xa0: {  	_ =	swait.ge [sflag:s14], $0x4000  }
0xa1: {  	[sflag:s14] =	ssyncset.done $0x0  }
0xa2: {  	[sflag:s14] =	ssyncadd.s32 $0xFFFFC000  }
0xa3: {  	_ =	swait.ge [sflag:s14], $0x4000  }
0xa4: {  	[sflag:s14] =	ssyncset.done $0x0  }
0xa5: {  	[sflag:s14] =	ssyncadd.s32 $0xFFFFC000  }
0xa6: {  	_ =	swait.ge [sflag:s14], $0x4000  }
0xa7: {  	[sflag:s14] =	ssyncset.done $0x0  }
0xa8: {  	[sflag:s14] =	ssyncadd.s32 $0xFFFFC000  }
0xa9: {  	_ =	swait.ge [sflag:s14], $0x4000  }
0xaa: {  	[sflag:s14] =	ssyncset.done $0x0  }
0xab: {  	[sflag:s14] =	ssyncadd.s32 $0xFFFFC000  }
0xac: {  	_ =	swait.ge [sflag:s14], $0x4000  }
0xad: {  	[sflag:s14] =	ssyncset.done $0x0  }
0xae: {  	[sflag:s14] =	ssyncadd.s32 $0xFFFFC000  }
0xaf: {  	_ =	swait.ge [sflag:s14], $0x4000  }
0xb0: {  	[sflag:s14] =	ssyncset.done $0x0  }
0xb1: {  	[sflag:s14] =	ssyncadd.s32 $0xFFFFC000  }
0xb2: {  	_ =	swait.ge [sflag:s14], $0x4000  }
0xb3: {  	[sflag:s14] =	ssyncset.done $0x0  }
0xb4: {  	[sflag:s14] =	ssyncadd.s32 $0xFFFFC000  }
.Ltmp0:
0xb5: {  	_ =	swait.ge [sflag:s14], $0x4000;
	(pc) =	sbr.rel @p0 .LBB2_2-.Ltmp0, $4  }
0xb6: {  	[sflag:s14] =	ssyncset.done $0x0  }
0xb7: {  	[sflag:s14] =	ssyncadd.s32 $0xFFFFC000  }
0xb8: {  	_ =	swait.ge [sflag:s14], $0x4000  }
0xb9: {  	s19 =	smov.u32 s17;
	[sflag:s14] =	ssyncset.done $0x0  }
0xba: {  	s16 =	sshra.s32 s16, $0x2;
	[sflag:s14] =	ssyncadd.s32 $0xFFFFC000  }
0xbb: {  	[spmem:s2] =	stream.indirect.scatter.add.f32 [tilespmem:s12], [sflag:$0x1], $0x80, s16, s13, $0xb8;
	[tilespmem:$0x1D000] =	vst v63  }
0xbc: {  	s17 =	sadd.s32 $0x80, s16  }
0xbd: {  	[spmem:s2] =	stream.indirect.scatter.add.f32 [tilespmem:s12], [sflag:$0x1], $0x80, s17, s13, $0xb8;
	[tilespmem:$0x1D000] =	vst v63  }
0xbe: {  	s18 =	sadd.s32 $0x100, s16  }
0xbf: {  	[spmem:s2] =	stream.indirect.scatter.add.f32 [tilespmem:s12], [sflag:$0x1], $0x80, s18, s13, $0xb8;
	[tilespmem:$0x1D000] =	vst v63  }
0xc0: {  	s19 =	sadd.s32 $0x180, s16  }
0xc1: {  	[spmem:s2] =	stream.indirect.scatter.add.f32 [tilespmem:s12], [sflag:$0x1], $0x80, s19, s13, $0xb8;
	[tilespmem:$0x1D000] =	vst v63  }
0xc2: {  	s20 =	sadd.s32 $0x200, s16  }
0xc3: {  	[spmem:s2] =	stream.indirect.scatter.add.f32 [tilespmem:s12], [sflag:$0x1], $0x80, s20, s13, $0xb8;
	[tilespmem:$0x1D000] =	vst v63  }
0xc4: {  	s21 =	sadd.s32 $0x280, s16  }
0xc5: {  	[spmem:s2] =	stream.indirect.scatter.add.f32 [tilespmem:s12], [sflag:$0x1], $0x80, s21, s13, $0xb8;
	[tilespmem:$0x1D000] =	vst v63  }
0xc6: {  	s22 =	sadd.s32 $0x300, s16  }
0xc7: {  	[spmem:s2] =	stream.indirect.scatter.add.f32 [tilespmem:s12], [sflag:$0x1], $0x80, s22, s13, $0xb8;
	[tilespmem:$0x1D000] =	vst v63  }
0xc8: {  	s23 =	sadd.s32 $0x380, s16  }
0xc9: {  	[spmem:s2] =	stream.indirect.scatter.add.f32 [tilespmem:s12], [sflag:$0x1], $0x80, s23, s13, $0xb8;
	[tilespmem:$0x1D000] =	vst v63  }
0xca: {  	s24 =	sadd.s32 $0x400, s16  }
0xcb: {  	[spmem:s2] =	stream.indirect.scatter.add.f32 [tilespmem:s12], [sflag:$0x1], $0x80, s24, s13, $0xb8;
	[tilespmem:$0x1D000] =	vst v63  }
0xcc: {  	s25 =	sadd.s32 $0x480, s16  }
0xcd: {  	[spmem:s2] =	stream.indirect.scatter.add.f32 [tilespmem:s12], [sflag:$0x1], $0x80, s25, s13, $0xb8;
	[tilespmem:$0x1D000] =	vst v63  }
0xce: {  	s26 =	sadd.s32 $0x500, s16  }
0xcf: {  	[spmem:s2] =	stream.indirect.scatter.add.f32 [tilespmem:s12], [sflag:$0x1], $0x80, s26, s13, $0xb8;
	[tilespmem:$0x1D000] =	vst v63  }
0xd0: {  	s28 =	sadd.s32 $0x580, s16  }
0xd1: {  	[spmem:s2] =	stream.indirect.scatter.add.f32 [tilespmem:s12], [sflag:$0x1], $0x80, s28, s13, $0xb8;
	[tilespmem:$0x1D000] =	vst v63  }
0xd2: {  	s29 =	sadd.s32 $0x600, s16  }
0xd3: {  	[spmem:s2] =	stream.indirect.scatter.add.f32 [tilespmem:s12], [sflag:$0x1], $0x80, s29, s13, $0xb8;
	[tilespmem:$0x1D000] =	vst v63  }
0xd4: {  	s30 =	sadd.s32 $0x680, s16  }
0xd5: {  	[spmem:s2] =	stream.indirect.scatter.add.f32 [tilespmem:s12], [sflag:$0x1], $0x80, s30, s13, $0xb8;
	[tilespmem:$0x1D000] =	vst v63  }
0xd6: {  	s31 =	sadd.s32 $0x700, s16  }
0xd7: {  	[spmem:s2] =	stream.indirect.scatter.add.f32 [tilespmem:s12], [sflag:$0x1], $0x80, s31, s13, $0xb8;
	[tilespmem:$0x1D000] =	vst v63  }
0xd8: {  	s16 =	sadd.s32 $0x780, s16  }
0xd9: {  	[spmem:s2] =	stream.indirect.scatter.add.f32 [tilespmem:s12], [sflag:$0x1], $0x80, s16, s13, $0xb8;
	[tilespmem:$0x1D000] =	vst v63  }
0xda: {  	_ =	swait.ge [sflag:s14], $0x4000  }
0xdb: {  	[sflag:s14] =	ssyncset.done $0x0  }
0xdc: {  	[sflag:s14] =	ssyncadd.s32 $0xFFFFC000  }
0xdd: {  	_ =	swait.ge [sflag:s14], $0x4000  }
0xde: {  	[sflag:s14] =	ssyncset.done $0x0  }
0xdf: {  	[sflag:s14] =	ssyncadd.s32 $0xFFFFC000  }
0xe0: {  	_ =	swait.ge [sflag:s14], $0x4000  }
0xe1: {  	[sflag:s14] =	ssyncset.done $0x0  }
0xe2: {  	[sflag:s14] =	ssyncadd.s32 $0xFFFFC000  }
0xe3: {  	_ =	swait.ge [sflag:s14], $0x4000  }
0xe4: {  	[sflag:s14] =	ssyncset.done $0x0  }
0xe5: {  	[sflag:s14] =	ssyncadd.s32 $0xFFFFC000  }
0xe6: {  	_ =	swait.ge [sflag:s14], $0x4000  }
0xe7: {  	[sflag:s14] =	ssyncset.done $0x0  }
0xe8: {  	[sflag:s14] =	ssyncadd.s32 $0xFFFFC000  }
0xe9: {  	_ =	swait.ge [sflag:s14], $0x4000  }
0xea: {  	[sflag:s14] =	ssyncset.done $0x0  }
0xeb: {  	[sflag:s14] =	ssyncadd.s32 $0xFFFFC000  }
0xec: {  	_ =	swait.ge [sflag:s14], $0x4000  }
0xed: {  	[sflag:s14] =	ssyncset.done $0x0  }
0xee: {  	[sflag:s14] =	ssyncadd.s32 $0xFFFFC000  }
0xef: {  	_ =	swait.ge [sflag:s14], $0x4000  }
0xf0: {  	[sflag:s14] =	ssyncset.done $0x0  }
0xf1: {  	[sflag:s14] =	ssyncadd.s32 $0xFFFFC000  }
0xf2: {  	_ =	swait.ge [sflag:s14], $0x4000  }
0xf3: {  	[sflag:s14] =	ssyncset.done $0x0  }
0xf4: {  	[sflag:s14] =	ssyncadd.s32 $0xFFFFC000  }
0xf5: {  	_ =	swait.ge [sflag:s14], $0x4000  }
0xf6: {  	[sflag:s14] =	ssyncset.done $0x0  }
0xf7: {  	[sflag:s14] =	ssyncadd.s32 $0xFFFFC000  }
0xf8: {  	_ =	swait.ge [sflag:s14], $0x4000  }
0xf9: {  	[sflag:s14] =	ssyncset.done $0x0  }
0xfa: {  	[sflag:s14] =	ssyncadd.s32 $0xFFFFC000  }
0xfb: {  	_ =	swait.ge [sflag:s14], $0x4000  }
0xfc: {  	[sflag:s14] =	ssyncset.done $0x0  }
0xfd: {  	[sflag:s14] =	ssyncadd.s32 $0xFFFFC000  }
0xfe: {  	_ =	swait.ge [sflag:s14], $0x4000  }
0xff: {  	[sflag:s14] =	ssyncset.done $0x0  }
0x100: {  	[sflag:s14] =	ssyncadd.s32 $0xFFFFC000  }
0x101: {  	_ =	swait.ge [sflag:s14], $0x4000  }
0x102: {  	[sflag:s14] =	ssyncset.done $0x0  }
0x103: {  	[sflag:s14] =	ssyncadd.s32 $0xFFFFC000  }
0x104: {  	_ =	swait.ge [sflag:s14], $0x4000  }
0x105: {  	[sflag:s14] =	ssyncset.done $0x0  }
0x106: {  	[sflag:s14] =	ssyncadd.s32 $0xFFFFC000  }
0x107: {  	_ =	swait.ge [sflag:s14], $0x4000  }
0x108: {  	s15 =	sadd.s32 $0x1, s15;
	[sflag:s14] =	ssyncset.done $0x0  }
0x109: {  	p0 =	sne.s32 s15, s9;
	[sflag:s14] =	ssyncadd.s32 $0xFFFFC000  }
.Ltmp1:
0x10a: {  	[bflag:$0x0] =	sbarrier.arrive $0xFFFF;
	(pc) =	sbr.rel @p0 .LBB2_1-.Ltmp1, $4  }
0x10b: {  	[hbm:s8], [sflag:s6] =	dma.local [spmem:s10], $0x2800  }
0x10c: {  	_ =	swait.ge [sflag:s11], $0x2800  }
0x10d: {  	[sflag:s11] =	ssyncset.done $0x0  }
0x10e: {  	[sflag:s11] =	ssyncadd.s32 $0xFFFFD800  }
0x10f: {  	_ =	sfence.sel $0x180000  }
0x110: {  	[bflag:$0x0] =	sbarrier.arrive $0xFFFF  }
0x111: {  	p0 =	sne.s32 s0, $0x0;
	_ =	strace $0x90000047  }
0x112: {  	s0 =	sadd.s32 @!p0 $0x100000, s1;
	[bflag:$0x2] =	sbarrier.arrive $0xFFFF  }
0x113: {  	[sflag:s0] =	ssyncadd.tile.s32 @!p0 $0x1;
	_ =	shalt  }
.Lfunc_end2:
_tile_overlayer_lowered:
.L_overlay_start_2:
0x114: {  	(tag) =	ssettag $0x2  }
0x115: {  	s0 =	rddreg [dreg:$0x0];
	s2 =	stileid.u32  }
0x116: {  	s1 =	rddreg [dreg:$0x1];
	p0 =	sne.s32 s2, $0x0  }
0x117: {  	s3 =	rddreg [dreg:$0x2];
	[bflag:$0x3] =	sbarrier.arrive $0xFFFF;
	s2 =	simm.s32 @!p0 $0x1C02  }
0x118: {  	[timem:s3], [sflag:s2] =	dma.local @!p0 [hbm:s0], s1  }
0x119: {  	s0 =	simm.s32 @!p0 $0x2  }
0x11a: {  	_ =	swait.ge @!p0 [sflag:s0], s1  }
0x11b: {  	s1 =	ssub.s32 @!p0 $0x0, s1;
	[sflag:s0] =	ssyncset.done @!p0 $0x0  }
0x11c: {  	[sflag:s0] =	ssyncadd.s32 @!p0 s1  }
0x11d: {  	[bflag:$0x3] =	sbarrier.arrive $0xFFFF  }
0x11e: {  	_ =	shalt  }

</sc_bundles>
